<compile_context>
chip_gen: v7x
topology: tpu7x:2x2x1
jax: 0.10.2.dev20260603
libtpu: 0.0.44.dev20260713+nightly
codegen_flags: <defaults>
</compile_context>

<pallas_src>
import functools

import jax
import jax.numpy as jnp
from jax import lax
from jax.experimental import pallas as pl
from jax.experimental.pallas import tpu as pltpu
from jax.experimental.pallas import tpu_sc as plsc

_CHUNK = 16
_NBUF = 4
_OG = 3


@functools.lru_cache(maxsize=None)
def _make_gather(BATCH, SEQ, V, D):
    info = plsc.get_sparse_core_info()
    nc, ns = info.num_cores, info.num_subcores
    nw = nc * ns
    B = BATCH * SEQ
    b_per_w = B // nw
    n_chunks = b_per_w // _CHUNK
    assert b_per_w * nw == B and n_chunks * _CHUNK == b_per_w
    assert n_chunks % 8 == 0 and n_chunks >= 16
    assert SEQ % b_per_w == 0

    mesh = plsc.VectorSubcoreMesh(core_axis_name="c", subcore_axis_name="s")

    @functools.partial(
        pl.kernel,
        mesh=mesh,
        out_type=jax.ShapeDtypeStruct((BATCH, SEQ, D), jnp.float32),
        scratch_types=[
            pltpu.VMEM((b_per_w,), jnp.int32),
            pltpu.VMEM((_NBUF, _CHUNK, D), jnp.float32),
            pltpu.VMEM_SHARED((ns, 3, _CHUNK, D), jnp.float32),
        ]
        + [pltpu.SemaphoreType.DMA] * (_NBUF + 1 + 3 + 3),
    )
    def gather_kernel(pos_hbm, table_hbm, out_hbm, idx_v, rows_v, stage_v, *sems):
        gsem = sems[:_NBUF]
        wsem = sems[_NBUF:_NBUF + 1]
        h1sem = sems[_NBUF + 1:_NBUF + 4]
        h2sem = sems[_NBUF + 4:]
        sid = lax.axis_index("s")
        wid = sid * nc + lax.axis_index("c")
        bidx = wid // (SEQ // b_per_w)
        seq_base = (wid % (SEQ // b_per_w)) * b_per_w
        pltpu.sync_copy(pos_hbm.at[bidx, pl.ds(seq_base, b_per_w)], idx_v)

        def clamp_body(i, carry):
            off = pl.multiple_of(i * 16, 16)
            idx_v[pl.ds(off, 16)] = jnp.clip(idx_v[pl.ds(off, 16)], 0, V - 1)
            return carry

        lax.fori_loop(0, b_per_w // 16, clamp_body, 0)

        def start(chunk, buf):
            off = pl.multiple_of(chunk * _CHUNK, _CHUNK)
            pltpu.async_copy(
                table_hbm.at[idx_v.at[pl.ds(off, _CHUNK)]], rows_v.at[buf], gsem[buf]
            )

        def wait_gather(buf):
            pltpu.make_async_copy(
                table_hbm.at[idx_v.at[pl.ds(0, _CHUNK)]], rows_v.at[buf], gsem[buf]
            ).wait()

        def out_slice(chunk):
            off = pl.multiple_of(seq_base + chunk * _CHUNK, _CHUNK)
            return out_hbm.at[bidx, pl.ds(off, _CHUNK)]

        def slot_ref(s):
            return stage_v.at[sid, s]

        for b in range(_OG):
            start(b, b)

        def body8(g, carry):
            for k in range(8):
                chunk = 8 * g + k
                b = k % _NBUF
                nxt = chunk + _OG
                bn = (b + _OG) % _NBUF

                @pl.when(nxt < n_chunks)
                def _():
                    @pl.when(nxt >= _NBUF)
                    def _():
                        if bn == 0:
                            pltpu.make_async_copy(
                                rows_v.at[bn], out_slice(0), wsem[0]
                            ).wait()
                        else:
                            bnp = bn - 1
                            pltpu.make_async_copy(
                                rows_v.at[bn], slot_ref(0), h1sem[bnp]
                            ).wait()
                            pltpu.async_copy(
                                slot_ref(bnp), out_slice(nxt - _NBUF), h2sem[bnp]
                            )

                    start(nxt, bn)

                wait_gather(b)
                if b == 0:
                    pltpu.async_copy(rows_v.at[b], out_slice(chunk), wsem[0])
                else:
                    bp = b - 1

                    @pl.when(chunk >= _NBUF + 1)
                    def _():
                        pltpu.make_async_copy(
                            slot_ref(bp), out_slice(0), h2sem[bp]
                        ).wait()

                    pltpu.async_copy(rows_v.at[b], slot_ref(bp), h1sem[bp])
            return carry

        lax.fori_loop(0, n_chunks // 8, body8, 0)

        for bp, last in ((0, n_chunks - 3), (1, n_chunks - 2), (2, n_chunks - 1)):
            pltpu.make_async_copy(rows_v.at[bp + 1], slot_ref(0), h1sem[bp]).wait()
            pltpu.async_copy(slot_ref(bp), out_slice(last), h2sem[bp])
        for s in range(3):
            pltpu.make_async_copy(slot_ref(s), out_slice(0), h2sem[s]).wait()
        pltpu.make_async_copy(rows_v.at[0], out_slice(0), wsem[0]).wait()

    return gather_kernel


def kernel(positions, table):
    return _make_gather(
        positions.shape[0], positions.shape[1], table.shape[0], table.shape[1]
    )(positions, table)

# --- scband reference (transcript-rebuilt; emitter-appended) ---
"""Pipeline reference for scband-zeta-embedding-25108378812943 (READ-ONLY COPY).

The authoritative reference and input builder live on the scoring server;
editing this copy changes nothing except your own understanding.
"""

import jax, jax.numpy as jnp
import numpy as np
import math

MAX_LEN = 8192
D_MODEL = 1024


def _zeta_zeros(n):
    precise = np.array([14.134725, 21.02204, 25.010858, 30.424876, 32.935062,
                        37.586178, 40.918719, 43.327073, 48.00515, 49.773832],
                       dtype=np.float64)
    if n <= 10:
        return precise[:n].astype(np.float32)
    extra = n - 10
    k = max(extra + 20, int(2 * math.sqrt(extra)) + 20)
    rng = np.random.default_rng(0)
    A = rng.standard_normal((k, k))
    H = (A + A.T) / 2.0
    eigs = np.linalg.eigvalsh(H)
    sorted_eigs = np.sort(eigs)
    spacings = sorted_eigs[1:] - sorted_eigs[:-1]
    if len(spacings) < extra:
        sel = spacings
    else:
        cs = (len(spacings) - extra) // 2
        sel = spacings[cs:cs + extra]
    sel = np.abs(sel)
    sel = sel / sel.mean() * 2.5
    if len(sel) < extra:
        sel = np.concatenate([sel, np.full(extra - len(sel), sel.mean())])
    new_zeros = np.cumsum(sel[:extra]) + precise[-1]
    return np.concatenate([precise, new_zeros])[:n].astype(np.float32)


def _build_table(scale=1.0):
    num_zeros = D_MODEL // 2
    zeros = _zeta_zeros(num_zeros).astype(np.float64)
    position = np.arange(MAX_LEN, dtype=np.float64)[:, None]
    freqs = zeros[None, :] / (2.0 * np.pi)
    pe = np.zeros((MAX_LEN, D_MODEL), dtype=np.float32)
    sin_values = np.sin(position * freqs)
    cos_values = np.cos(position * freqs)
    pe[:, 0::2] = sin_values[:, :D_MODEL // 2]
    pe[:, 1::2] = cos_values[:, :D_MODEL // 2]
    return jnp.asarray(pe * scale, dtype=jnp.float32)


def setup_inputs(seed: int = 0) -> dict:
    key = jax.random.key(seed)
    positions = jax.random.randint(key, (4, 8192), 0, MAX_LEN, dtype=jnp.int32)
    table = _build_table(scale=1.0)
    return {"positions": positions, "table": table}


def reference(positions, table):
    # ZetaEmbedding.forward: clamp out-of-range positions, then fixed-table lookup
    pos = jnp.clip(positions, 0, MAX_LEN - 1)
    return jnp.take(table, pos, axis=0)

if __name__ == "__main__":
    import jax
    _d = setup_inputs()
    print(jax.jit(kernel)(*tuple(_d.values())))

</pallas_src>

<mosaic_0001>
#map = affine_map<(d0, d1) -> (0, 0)>
#map1 = affine_map<(d0, d1) -> (0, 0, 0)>
module attributes {stable_mosaic.version = 14 : i64} {
  func.func @gather_kernel(%arg0: i32, %arg1: i32, %arg2: memref<4x8192xi32, #tpu.memory_space<hbm>>, %arg3: memref<8192x1024xf32, #tpu.memory_space<hbm>>, %arg4: memref<4x8192x1024xf32, #tpu.memory_space<hbm>>, %arg5: memref<1024xi32, #tpu.memory_space<vmem>>, %arg6: memref<4x16x1024xf32, #tpu.memory_space<vmem>>, %arg7: memref<16x3x16x1024xf32, #tpu.memory_space<vmem_shared>>, %arg8: memref<!tpu.dma_semaphore, #tpu.memory_space<semaphore_mem>>, %arg9: memref<!tpu.dma_semaphore, #tpu.memory_space<semaphore_mem>>, %arg10: memref<!tpu.dma_semaphore, #tpu.memory_space<semaphore_mem>>, %arg11: memref<!tpu.dma_semaphore, #tpu.memory_space<semaphore_mem>>, %arg12: memref<!tpu.dma_semaphore, #tpu.memory_space<semaphore_mem>>, %arg13: memref<!tpu.dma_semaphore, #tpu.memory_space<semaphore_mem>>, %arg14: memref<!tpu.dma_semaphore, #tpu.memory_space<semaphore_mem>>, %arg15: memref<!tpu.dma_semaphore, #tpu.memory_space<semaphore_mem>>, %arg16: memref<!tpu.dma_semaphore, #tpu.memory_space<semaphore_mem>>, %arg17: memref<!tpu.dma_semaphore, #tpu.memory_space<semaphore_mem>>, %arg18: memref<!tpu.dma_semaphore, #tpu.memory_space<semaphore_mem>>) attributes {dimension_semantics = [#tpu.dimension_semantics<core_parallel>, #tpu.dimension_semantics<subcore_parallel>], iteration_bounds = array<i64: 2, 16>, scalar_prefetch = 0 : i64, scratch_operands = 14 : i64, tpu.core_type = #tpu.core_type<sc_vector_subcore>, window_params = [{transform_indices = #map}, {transform_indices = #map}, {transform_indices = #map1}]} {
    %mul3A = arith.constant 2 : i32
    %mul3A_0 = arith.muli %arg1, %mul3A : i32
    %add3A = arith.addi %mul3A_0, %arg0 : i32
    %jit3A = arith.constant 8 : i32
    %div3A = arith.divsi %add3A, %jit3A : i32
    %sign3A = arith.constant 0 : i32
    %sign3A_1 = arith.cmpi sgt, %add3A, %sign3A : i32
    %sign3A_2 = arith.extui %sign3A_1 : i1 to i32
    %sign3A_3 = arith.constant 0 : i32
    %sign3A_4 = arith.cmpi slt, %add3A, %sign3A_3 : i32
    %sign3A_5 = arith.extui %sign3A_4 : i1 to i32
    %sign3A_6 = arith.subi %sign3A_2, %sign3A_5 : i32
    %sign3A_7 = arith.constant 0 : i32
    %sign3A_8 = arith.cmpi sgt, %jit3A, %sign3A_7 : i32
    %sign3A_9 = arith.extui %sign3A_8 : i1 to i32
    %sign3A_10 = arith.constant 0 : i32
    %sign3A_11 = arith.cmpi slt, %jit3A, %sign3A_10 : i32
    %sign3A_12 = arith.extui %sign3A_11 : i1 to i32
    %sign3A_13 = arith.subi %sign3A_9, %sign3A_12 : i32
    %ne3A = arith.cmpi ne, %sign3A_6, %sign3A_13 : i32
    %rem3A = arith.remsi %add3A, %jit3A : i32
    %ne3A_14 = arith.constant 0 : i32
    %ne3A_15 = arith.cmpi ne, %rem3A, %ne3A_14 : i32
    %and3A = arith.andi %ne3A, %ne3A_15 : i1
    %sub3A = arith.constant 1 : i32
    %sub3A_16 = arith.subi %div3A, %sub3A : i32
    %select_n3A = arith.select %and3A, %sub3A_16, %div3A : i32
    %jit3A_17 = arith.constant 8 : i32
    %eq3A = arith.constant 0 : i32
    %eq3A_18 = arith.cmpi eq, %jit3A_17, %eq3A : i32
    %jit3A_19 = arith.constant 1 : i32
    %select_n3A_20 = arith.select %eq3A_18, %jit3A_19, %jit3A_17 : i32
    %rem3A_21 = arith.remsi %add3A, %select_n3A_20 : i32
    %ne3A_22 = arith.constant 0 : i32
    %ne3A_23 = arith.cmpi ne, %rem3A_21, %ne3A_22 : i32
    %lt3A = arith.constant 0 : i32
    %lt3A_24 = arith.cmpi slt, %rem3A_21, %lt3A : i32
    %lt3A_25 = arith.constant 0 : i32
    %lt3A_26 = arith.cmpi slt, %select_n3A_20, %lt3A_25 : i32
    %ne3A_27 = arith.xori %lt3A_24, %lt3A_26 : i1
    %and3A_28 = arith.andi %ne3A_27, %ne3A_23 : i1
    %add3A_29 = arith.addi %rem3A_21, %select_n3A_20 : i32
    %select_n3A_30 = arith.select %and3A_28, %add3A_29, %rem3A_21 : i32
    %mul3A_31 = arith.constant 1024 : i32
    %mul3A_32 = arith.muli %select_n3A_30, %mul3A_31 : i32
    "tpu.region"() ({
      %run_scoped3A = tpu.sem_alloc : memref<!tpu.dma_semaphore, #tpu.memory_space<semaphore_mem>>
      %dma_start3A_212 = tpu.memref_slice %arg2[%select_n3A, %mul3A_32] : memref<4x8192xi32, #tpu.memory_space<hbm>> -> memref<1x1024xi32, #tpu.memory_space<hbm>>
      %dma_start3A_213 = tpu.memref_squeeze %dma_start3A_212 : memref<1x1024xi32, #tpu.memory_space<hbm>> -> memref<1024xi32, #tpu.memory_space<hbm>>
      %dma_start3A_214 = tpu.memref_slice %arg2[%select_n3A, %mul3A_32] : memref<4x8192xi32, #tpu.memory_space<hbm>> -> memref<1x1024xi32, #tpu.memory_space<hbm>>
      %dma_start3A_215 = tpu.memref_squeeze %dma_start3A_214 : memref<1x1024xi32, #tpu.memory_space<hbm>> -> memref<1024xi32, #tpu.memory_space<hbm>>
      tpu.enqueue_dma source(%dma_start3A_215 : memref<1024xi32, #tpu.memory_space<hbm>>) target(%arg5 : memref<1024xi32, #tpu.memory_space<vmem>>) target_semaphore(%run_scoped3A : memref<!tpu.dma_semaphore, #tpu.memory_space<semaphore_mem>>)
      %dma_wait3A_216 = tpu.memref_slice %arg2[%select_n3A, %mul3A_32] : memref<4x8192xi32, #tpu.memory_space<hbm>> -> memref<1x1024xi32, #tpu.memory_space<hbm>>
      %dma_wait3A_217 = tpu.memref_squeeze %dma_wait3A_216 : memref<1x1024xi32, #tpu.memory_space<hbm>> -> memref<1024xi32, #tpu.memory_space<hbm>>
      %dma_wait3A_218 = tpu.memref_slice %arg2[%select_n3A, %mul3A_32] : memref<4x8192xi32, #tpu.memory_space<hbm>> -> memref<1x1024xi32, #tpu.memory_space<hbm>>
      %dma_wait3A_219 = tpu.memref_squeeze %dma_wait3A_218 : memref<1x1024xi32, #tpu.memory_space<hbm>> -> memref<1024xi32, #tpu.memory_space<hbm>>
      tpu.wait_dma2 semaphore(%run_scoped3A : memref<!tpu.dma_semaphore, #tpu.memory_space<semaphore_mem>>) src(%dma_wait3A_219 : memref<1024xi32, #tpu.memory_space<hbm>>) dst(%arg5 : memref<1024xi32, #tpu.memory_space<vmem>>)
      tpu.yield
    }) : () -> ()
    %scan3A = arith.constant 0 : i32
    %scan3A_33 = arith.constant 0 : i32
    %scan3A_34 = arith.constant 64 : i32
    %scan3A_35 = arith.addi %scan3A_33, %scan3A_34 : i32
    %scan3A_36 = arith.constant 1 : i32
    scf.for %scan3A_212 = %scan3A_33 to %scan3A_35 step %scan3A_36  : i32 {
      %mul3A_213 = arith.constant 16 : i32
      %mul3A_214 = arith.muli %scan3A_212, %mul3A_213 : i32
      %multiple_of3A_215 = tpu.assume_multiple %mul3A_214, 16 : i32
      %get3A = arith.index_cast %multiple_of3A_215 : i32 to index
      %get3A_216 = tpu.vector_load %arg5[%get3A] {strides = array<i32>} : memref<1024xi32, #tpu.memory_space<vmem>>, vector<16xi32>,
      %get3A_217 = vector.shape_cast %get3A_216 : vector<16xi32> to vector<16xi32>
      %jit3A_218 = arith.constant 0 : i32
      %jit3A_219 = arith.constant 8191 : i32
      %max3A = vector.broadcast %jit3A_218 : i32 to vector<16xi32>
      %max3A_220 = arith.maxsi %max3A, %get3A_217 : vector<16xi32>
      %min3A = vector.broadcast %jit3A_219 : i32 to vector<16xi32>
      %min3A_221 = arith.minsi %min3A, %max3A_220 : vector<16xi32>
      %swap3A = arith.index_cast %multiple_of3A_215 : i32 to index
      %swap3A_222 = tpu.vector_load %arg5[%swap3A] {strides = array<i32>} : memref<1024xi32, #tpu.memory_space<vmem>>, vector<16xi32>,
      %swap3A_223 = vector.shape_cast %swap3A_222 : vector<16xi32> to vector<16xi32>
      %swap3A_224 = vector.shape_cast %min3A_221 : vector<16xi32> to vector<16xi32>
      tpu.vector_store %arg5[%swap3A], %swap3A_224 {strides = array<i32>} : memref<1024xi32, #tpu.memory_space<vmem>>, vector<16xi32>,
    }
    %scan3A_37 = arith.constant 64 : i32
    %multiple_of3A = arith.constant 0 : i32
    %multiple_of3A_38 = tpu.assume_multiple %multiple_of3A, 16 : i32
    %dma_start3A = arith.constant 0 : i32
    %dma_start3A_39 = arith.constant 0 : i32
    %dma_start3A_40 = arith.constant 0 : i32
    %dma_start3A_41 = tpu.memref_slice %arg6[%dma_start3A, %dma_start3A_39, %dma_start3A_40] : memref<4x16x1024xf32, #tpu.memory_space<vmem>> -> memref<1x16x1024xf32, #tpu.memory_space<vmem>>
    %dma_start3A_42 = tpu.memref_squeeze %dma_start3A_41 : memref<1x16x1024xf32, #tpu.memory_space<vmem>> -> memref<16x1024xf32, #tpu.memory_space<vmem>>
    %dma_start3A_43 = tpu.memref_slice %arg5[%multiple_of3A_38] : memref<1024xi32, #tpu.memory_space<vmem>> -> memref<16xi32, #tpu.memory_space<vmem>>
    %dma_start3A_44 = arith.constant 0 : i32
    %dma_start3A_45 = arith.constant 0 : i32
    %dma_start3A_46 = tpu.memref_slice %arg3[%dma_start3A_44, %dma_start3A_45] : memref<8192x1024xf32, #tpu.memory_space<hbm>> -> memref<8192x1024xf32, #tpu.memory_space<hbm>>
    tpu.enqueue_indirect_dma source(%dma_start3A_46 : memref<8192x1024xf32, #tpu.memory_space<hbm>>) target(%dma_start3A_42 : memref<16x1024xf32, #tpu.memory_space<vmem>>) offsets(%dma_start3A_43 : memref<16xi32, #tpu.memory_space<vmem>>) semaphore(%arg8 : memref<!tpu.dma_semaphore, #tpu.memory_space<semaphore_mem>>)
    %multiple_of3A_47 = arith.constant 16 : i32
    %multiple_of3A_48 = tpu.assume_multiple %multiple_of3A_47, 16 : i32
    %dma_start3A_49 = arith.constant 1 : i32
    %dma_start3A_50 = arith.constant 0 : i32
    %dma_start3A_51 = arith.constant 0 : i32
    %dma_start3A_52 = tpu.memref_slice %arg6[%dma_start3A_49, %dma_start3A_50, %dma_start3A_51] : memref<4x16x1024xf32, #tpu.memory_space<vmem>> -> memref<1x16x1024xf32, #tpu.memory_space<vmem>>
    %dma_start3A_53 = tpu.memref_squeeze %dma_start3A_52 : memref<1x16x1024xf32, #tpu.memory_space<vmem>> -> memref<16x1024xf32, #tpu.memory_space<vmem>>
    %dma_start3A_54 = tpu.memref_slice %arg5[%multiple_of3A_48] : memref<1024xi32, #tpu.memory_space<vmem>> -> memref<16xi32, #tpu.memory_space<vmem>>
    %dma_start3A_55 = arith.constant 0 : i32
    %dma_start3A_56 = arith.constant 0 : i32
    %dma_start3A_57 = tpu.memref_slice %arg3[%dma_start3A_55, %dma_start3A_56] : memref<8192x1024xf32, #tpu.memory_space<hbm>> -> memref<8192x1024xf32, #tpu.memory_space<hbm>>
    tpu.enqueue_indirect_dma source(%dma_start3A_57 : memref<8192x1024xf32, #tpu.memory_space<hbm>>) target(%dma_start3A_53 : memref<16x1024xf32, #tpu.memory_space<vmem>>) offsets(%dma_start3A_54 : memref<16xi32, #tpu.memory_space<vmem>>) semaphore(%arg9 : memref<!tpu.dma_semaphore, #tpu.memory_space<semaphore_mem>>)
    %multiple_of3A_58 = arith.constant 32 : i32
    %multiple_of3A_59 = tpu.assume_multiple %multiple_of3A_58, 16 : i32
    %dma_start3A_60 = arith.constant 2 : i32
    %dma_start3A_61 = arith.constant 0 : i32
    %dma_start3A_62 = arith.constant 0 : i32
    %dma_start3A_63 = tpu.memref_slice %arg6[%dma_start3A_60, %dma_start3A_61, %dma_start3A_62] : memref<4x16x1024xf32, #tpu.memory_space<vmem>> -> memref<1x16x1024xf32, #tpu.memory_space<vmem>>
    %dma_start3A_64 = tpu.memref_squeeze %dma_start3A_63 : memref<1x16x1024xf32, #tpu.memory_space<vmem>> -> memref<16x1024xf32, #tpu.memory_space<vmem>>
    %dma_start3A_65 = tpu.memref_slice %arg5[%multiple_of3A_59] : memref<1024xi32, #tpu.memory_space<vmem>> -> memref<16xi32, #tpu.memory_space<vmem>>
    %dma_start3A_66 = arith.constant 0 : i32
    %dma_start3A_67 = arith.constant 0 : i32
    %dma_start3A_68 = tpu.memref_slice %arg3[%dma_start3A_66, %dma_start3A_67] : memref<8192x1024xf32, #tpu.memory_space<hbm>> -> memref<8192x1024xf32, #tpu.memory_space<hbm>>
    tpu.enqueue_indirect_dma source(%dma_start3A_68 : memref<8192x1024xf32, #tpu.memory_space<hbm>>) target(%dma_start3A_64 : memref<16x1024xf32, #tpu.memory_space<vmem>>) offsets(%dma_start3A_65 : memref<16xi32, #tpu.memory_space<vmem>>) semaphore(%arg10 : memref<!tpu.dma_semaphore, #tpu.memory_space<semaphore_mem>>)
    %scan3A_69 = arith.constant 0 : i32
    %scan3A_70 = arith.constant 0 : i32
    %scan3A_71 = arith.constant 8 : i32
    %scan3A_72 = arith.addi %scan3A_70, %scan3A_71 : i32
    %scan3A_73 = arith.constant 1 : i32
    scf.for %scan3A_212 = %scan3A_70 to %scan3A_72 step %scan3A_73  : i32 {
      %mul3A_213 = arith.constant 8 : i32
      %mul3A_214 = arith.muli %mul3A_213, %scan3A_212 : i32
      %add3A_215 = arith.constant 0 : i32
      %add3A_216 = arith.addi %mul3A_214, %add3A_215 : i32
      %add3A_217 = arith.constant 3 : i32
      %add3A_218 = arith.addi %add3A_216, %add3A_217 : i32
      %lt3A_219 = arith.constant 64 : i32
      %lt3A_220 = arith.cmpi slt, %add3A_218, %lt3A_219 : i32
      %convert_element_type3A = arith.extui %lt3A_220 : i1 to i32
      %cond3A = arith.constant 0 : i32
      %cond3A_221 = arith.cmpi ne, %convert_element_type3A, %cond3A : i32
      scf.if %cond3A_221 {
        %ge3A_554 = arith.constant 4 : i32
        %ge3A_555 = arith.cmpi sge, %add3A_218, %ge3A_554 : i32
        %convert_element_type3A_556 = arith.extui %ge3A_555 : i1 to i32
        %cond3A_557 = arith.constant 0 : i32
        %cond3A_558 = arith.cmpi ne, %convert_element_type3A_556, %cond3A_557 : i32
        scf.if %cond3A_558 {
          %dma_wait3A_571 = arith.constant 3 : i32
          %dma_wait3A_572 = arith.constant 0 : i32
          %dma_wait3A_573 = arith.constant 0 : i32
          %dma_wait3A_574 = arith.constant 0 : i32
          %dma_wait3A_575 = tpu.memref_slice %arg6[%dma_wait3A_571, %dma_wait3A_573, %dma_wait3A_574] : memref<4x16x1024xf32, #tpu.memory_space<vmem>> -> memref<1x16x1024xf32, #tpu.memory_space<vmem>>
          %dma_wait3A_576 = tpu.memref_squeeze %dma_wait3A_575 : memref<1x16x1024xf32, #tpu.memory_space<vmem>> -> memref<16x1024xf32, #tpu.memory_space<vmem>>
          %dma_wait3A_577 = arith.constant 0 : i32
          %dma_wait3A_578 = arith.constant 0 : i32
          %dma_wait3A_579 = tpu.memref_slice %arg7[%arg1, %dma_wait3A_572, %dma_wait3A_577, %dma_wait3A_578] : memref<16x3x16x1024xf32, #tpu.memory_space<vmem_shared>> -> memref<1x1x16x1024xf32, #tpu.memory_space<vmem_shared>>
          %dma_wait3A_580 = tpu.memref_squeeze %dma_wait3A_579 : memref<1x1x16x1024xf32, #tpu.memory_space<vmem_shared>> -> memref<16x1024xf32, #tpu.memory_space<vmem_shared>>
          %dma_wait3A_581 = arith.constant 0 : i32
          %dma_wait3A_582 = arith.constant 0 : i32
          %dma_wait3A_583 = tpu.memref_slice %arg7[%arg1, %dma_wait3A_572, %dma_wait3A_581, %dma_wait3A_582] : memref<16x3x16x1024xf32, #tpu.memory_space<vmem_shared>> -> memref<1x1x16x1024xf32, #tpu.memory_space<vmem_shared>>
          %dma_wait3A_584 = tpu.memref_squeeze %dma_wait3A_583 : memref<1x1x16x1024xf32, #tpu.memory_space<vmem_shared>> -> memref<16x1024xf32, #tpu.memory_space<vmem_shared>>
          %dma_wait3A_585 = arith.constant 0 : i32
          %dma_wait3A_586 = arith.constant 0 : i32
          %dma_wait3A_587 = tpu.memref_slice %arg6[%dma_wait3A_571, %dma_wait3A_585, %dma_wait3A_586] : memref<4x16x1024xf32, #tpu.memory_space<vmem>> -> memref<1x16x1024xf32, #tpu.memory_space<vmem>>
          %dma_wait3A_588 = tpu.memref_squeeze %dma_wait3A_587 : memref<1x16x1024xf32, #tpu.memory_space<vmem>> -> memref<16x1024xf32, #tpu.memory_space<vmem>>
          tpu.wait_dma2 semaphore(%arg15 : memref<!tpu.dma_semaphore, #tpu.memory_space<semaphore_mem>>) src(%dma_wait3A_588 : memref<16x1024xf32, #tpu.memory_space<vmem>>) dst(%dma_wait3A_584 : memref<16x1024xf32, #tpu.memory_space<vmem_shared>>)
          %sub3A_589 = arith.constant 4 : i32
          %sub3A_590 = arith.subi %add3A_218, %sub3A_589 : i32
          %mul3A_591 = arith.constant 16 : i32
          %mul3A_592 = arith.muli %sub3A_590, %mul3A_591 : i32
          %add3A_593 = arith.addi %mul3A_32, %mul3A_592 : i32
          %multiple_of3A_594 = tpu.assume_multiple %add3A_593, 16 : i32
          %dma_start3A_595 = arith.constant 2 : i32
          %dma_start3A_596 = arith.constant 0 : i32
          %dma_start3A_597 = tpu.memref_slice %arg4[%select_n3A, %multiple_of3A_594, %dma_start3A_596] : memref<4x8192x1024xf32, #tpu.memory_space<hbm>> -> memref<1x16x1024xf32, #tpu.memory_space<hbm>>
          %dma_start3A_598 = tpu.memref_squeeze %dma_start3A_597 : memref<1x16x1024xf32, #tpu.memory_space<hbm>> -> memref<16x1024xf32, #tpu.memory_space<hbm>>
          %dma_start3A_599 = arith.constant 0 : i32
          %dma_start3A_600 = arith.constant 0 : i32
          %dma_start3A_601 = tpu.memref_slice %arg7[%arg1, %dma_start3A_595, %dma_start3A_599, %dma_start3A_600] : memref<16x3x16x1024xf32, #tpu.memory_space<vmem_shared>> -> memref<1x1x16x1024xf32, #tpu.memory_space<vmem_shared>>
          %dma_start3A_602 = tpu.memref_squeeze %dma_start3A_601 : memref<1x1x16x1024xf32, #tpu.memory_space<vmem_shared>> -> memref<16x1024xf32, #tpu.memory_space<vmem_shared>>
          tpu.enqueue_dma source(%dma_start3A_602 : memref<16x1024xf32, #tpu.memory_space<vmem_shared>>) target(%dma_start3A_598 : memref<16x1024xf32, #tpu.memory_space<hbm>>) target_semaphore(%arg18 : memref<!tpu.dma_semaphore, #tpu.memory_space<semaphore_mem>>)
        } else {
        }
        %mul3A_559 = arith.constant 16 : i32
        %mul3A_560 = arith.muli %add3A_218, %mul3A_559 : i32
        %multiple_of3A_561 = tpu.assume_multiple %mul3A_560, 16 : i32
        %dma_start3A_562 = arith.constant 3 : i32
        %dma_start3A_563 = arith.constant 0 : i32
        %dma_start3A_564 = arith.constant 0 : i32
        %dma_start3A_565 = tpu.memref_slice %arg6[%dma_start3A_562, %dma_start3A_563, %dma_start3A_564] : memref<4x16x1024xf32, #tpu.memory_space<vmem>> -> memref<1x16x1024xf32, #tpu.memory_space<vmem>>
        %dma_start3A_566 = tpu.memref_squeeze %dma_start3A_565 : memref<1x16x1024xf32, #tpu.memory_space<vmem>> -> memref<16x1024xf32, #tpu.memory_space<vmem>>
        %dma_start3A_567 = tpu.memref_slice %arg5[%multiple_of3A_561] : memref<1024xi32, #tpu.memory_space<vmem>> -> memref<16xi32, #tpu.memory_space<vmem>>
        %dma_start3A_568 = arith.constant 0 : i32
        %dma_start3A_569 = arith.constant 0 : i32
        %dma_start3A_570 = tpu.memref_slice %arg3[%dma_start3A_568, %dma_start3A_569] : memref<8192x1024xf32, #tpu.memory_space<hbm>> -> memref<8192x1024xf32, #tpu.memory_space<hbm>>
        tpu.enqueue_indirect_dma source(%dma_start3A_570 : memref<8192x1024xf32, #tpu.memory_space<hbm>>) target(%dma_start3A_566 : memref<16x1024xf32, #tpu.memory_space<vmem>>) offsets(%dma_start3A_567 : memref<16xi32, #tpu.memory_space<vmem>>) semaphore(%arg11 : memref<!tpu.dma_semaphore, #tpu.memory_space<semaphore_mem>>)
      } else {
      }
      %dma_wait3A_222 = arith.constant 0 : i32
      %dma_wait3A_223 = arith.constant 0 : i32
      %dma_wait3A_224 = arith.constant 0 : i32
      %dma_wait3A_225 = tpu.memref_slice %arg6[%dma_wait3A_222, %dma_wait3A_223, %dma_wait3A_224] : memref<4x16x1024xf32, #tpu.memory_space<vmem>> -> memref<1x16x1024xf32, #tpu.memory_space<vmem>>
      %dma_wait3A_226 = tpu.memref_squeeze %dma_wait3A_225 : memref<1x16x1024xf32, #tpu.memory_space<vmem>> -> memref<16x1024xf32, #tpu.memory_space<vmem>>
      %dma_wait3A_227 = arith.constant 0 : i32
      %dma_wait3A_228 = tpu.memref_slice %arg5[%dma_wait3A_227] : memref<1024xi32, #tpu.memory_space<vmem>> -> memref<16xi32, #tpu.memory_space<vmem>>
      %dma_wait3A_229 = arith.constant 0 : i32
      %dma_wait3A_230 = arith.constant 0 : i32
      %dma_wait3A_231 = tpu.memref_slice %arg3[%dma_wait3A_229, %dma_wait3A_230] : memref<8192x1024xf32, #tpu.memory_space<hbm>> -> memref<8192x1024xf32, #tpu.memory_space<hbm>>
      tpu.wait_indirect_dma semaphore(%arg8 : memref<!tpu.dma_semaphore, #tpu.memory_space<semaphore_mem>>) src(%dma_wait3A_231 : memref<8192x1024xf32, #tpu.memory_space<hbm>>) dst(%dma_wait3A_226 : memref<16x1024xf32, #tpu.memory_space<vmem>>)
      %mul3A_232 = arith.constant 16 : i32
      %mul3A_233 = arith.muli %add3A_216, %mul3A_232 : i32
      %add3A_234 = arith.addi %mul3A_32, %mul3A_233 : i32
      %multiple_of3A_235 = tpu.assume_multiple %add3A_234, 16 : i32
      %dma_start3A_236 = arith.constant 0 : i32
      %dma_start3A_237 = arith.constant 0 : i32
      %dma_start3A_238 = arith.constant 0 : i32
      %dma_start3A_239 = tpu.memref_slice %arg6[%dma_start3A_236, %dma_start3A_237, %dma_start3A_238] : memref<4x16x1024xf32, #tpu.memory_space<vmem>> -> memref<1x16x1024xf32, #tpu.memory_space<vmem>>
      %dma_start3A_240 = tpu.memref_squeeze %dma_start3A_239 : memref<1x16x1024xf32, #tpu.memory_space<vmem>> -> memref<16x1024xf32, #tpu.memory_space<vmem>>
      %dma_start3A_241 = arith.constant 0 : i32
      %dma_start3A_242 = tpu.memref_slice %arg4[%select_n3A, %multiple_of3A_235, %dma_start3A_241] : memref<4x8192x1024xf32, #tpu.memory_space<hbm>> -> memref<1x16x1024xf32, #tpu.memory_space<hbm>>
      %dma_start3A_243 = tpu.memref_squeeze %dma_start3A_242 : memref<1x16x1024xf32, #tpu.memory_space<hbm>> -> memref<16x1024xf32, #tpu.memory_space<hbm>>
      %dma_start3A_244 = arith.constant 0 : i32
      %dma_start3A_245 = tpu.memref_slice %arg4[%select_n3A, %multiple_of3A_235, %dma_start3A_244] : memref<4x8192x1024xf32, #tpu.memory_space<hbm>> -> memref<1x16x1024xf32, #tpu.memory_space<hbm>>
      %dma_start3A_246 = tpu.memref_squeeze %dma_start3A_245 : memref<1x16x1024xf32, #tpu.memory_space<hbm>> -> memref<16x1024xf32, #tpu.memory_space<hbm>>
      %dma_start3A_247 = arith.constant 0 : i32
      %dma_start3A_248 = arith.constant 0 : i32
      %dma_start3A_249 = tpu.memref_slice %arg6[%dma_start3A_236, %dma_start3A_247, %dma_start3A_248] : memref<4x16x1024xf32, #tpu.memory_space<vmem>> -> memref<1x16x1024xf32, #tpu.memory_space<vmem>>
      %dma_start3A_250 = tpu.memref_squeeze %dma_start3A_249 : memref<1x16x1024xf32, #tpu.memory_space<vmem>> -> memref<16x1024xf32, #tpu.memory_space<vmem>>
      tpu.enqueue_dma source(%dma_start3A_250 : memref<16x1024xf32, #tpu.memory_space<vmem>>) target(%dma_start3A_246 : memref<16x1024xf32, #tpu.memory_space<hbm>>) target_semaphore(%arg12 : memref<!tpu.dma_semaphore, #tpu.memory_space<semaphore_mem>>)
      %mul3A_251 = arith.constant 8 : i32
      %mul3A_252 = arith.muli %mul3A_251, %scan3A_212 : i32
      %add3A_253 = arith.constant 1 : i32
      %add3A_254 = arith.addi %mul3A_252, %add3A_253 : i32
      %add3A_255 = arith.constant 3 : i32
      %add3A_256 = arith.addi %add3A_254, %add3A_255 : i32
      %lt3A_257 = arith.constant 64 : i32
      %lt3A_258 = arith.cmpi slt, %add3A_256, %lt3A_257 : i32
      %convert_element_type3A_259 = arith.extui %lt3A_258 : i1 to i32
      %cond3A_260 = arith.constant 0 : i32
      %cond3A_261 = arith.cmpi ne, %convert_element_type3A_259, %cond3A_260 : i32
      scf.if %cond3A_261 {
        %ge3A_554 = arith.constant 4 : i32
        %ge3A_555 = arith.cmpi sge, %add3A_256, %ge3A_554 : i32
        %convert_element_type3A_556 = arith.extui %ge3A_555 : i1 to i32
        %cond3A_557 = arith.constant 0 : i32
        %cond3A_558 = arith.cmpi ne, %convert_element_type3A_556, %cond3A_557 : i32
        scf.if %cond3A_558 {
          %add3A_571 = arith.constant 0 : i32
          %add3A_572 = arith.addi %mul3A_32, %add3A_571 : i32
          %multiple_of3A_573 = tpu.assume_multiple %add3A_572, 16 : i32
          %dma_wait3A_574 = arith.constant 0 : i32
          %dma_wait3A_575 = arith.constant 0 : i32
          %dma_wait3A_576 = arith.constant 0 : i32
          %dma_wait3A_577 = tpu.memref_slice %arg6[%dma_wait3A_574, %dma_wait3A_575, %dma_wait3A_576] : memref<4x16x1024xf32, #tpu.memory_space<vmem>> -> memref<1x16x1024xf32, #tpu.memory_space<vmem>>
          %dma_wait3A_578 = tpu.memref_squeeze %dma_wait3A_577 : memref<1x16x1024xf32, #tpu.memory_space<vmem>> -> memref<16x1024xf32, #tpu.memory_space<vmem>>
          %dma_wait3A_579 = arith.constant 0 : i32
          %dma_wait3A_580 = tpu.memref_slice %arg4[%select_n3A, %multiple_of3A_573, %dma_wait3A_579] : memref<4x8192x1024xf32, #tpu.memory_space<hbm>> -> memref<1x16x1024xf32, #tpu.memory_space<hbm>>
          %dma_wait3A_581 = tpu.memref_squeeze %dma_wait3A_580 : memref<1x16x1024xf32, #tpu.memory_space<hbm>> -> memref<16x1024xf32, #tpu.memory_space<hbm>>
          %dma_wait3A_582 = arith.constant 0 : i32
          %dma_wait3A_583 = tpu.memref_slice %arg4[%select_n3A, %multiple_of3A_573, %dma_wait3A_582] : memref<4x8192x1024xf32, #tpu.memory_space<hbm>> -> memref<1x16x1024xf32, #tpu.memory_space<hbm>>
          %dma_wait3A_584 = tpu.memref_squeeze %dma_wait3A_583 : memref<1x16x1024xf32, #tpu.memory_space<hbm>> -> memref<16x1024xf32, #tpu.memory_space<hbm>>
          %dma_wait3A_585 = arith.constant 0 : i32
          %dma_wait3A_586 = arith.constant 0 : i32
          %dma_wait3A_587 = tpu.memref_slice %arg6[%dma_wait3A_574, %dma_wait3A_585, %dma_wait3A_586] : memref<4x16x1024xf32, #tpu.memory_space<vmem>> -> memref<1x16x1024xf32, #tpu.memory_space<vmem>>
          %dma_wait3A_588 = tpu.memref_squeeze %dma_wait3A_587 : memref<1x16x1024xf32, #tpu.memory_space<vmem>> -> memref<16x1024xf32, #tpu.memory_space<vmem>>
          tpu.wait_dma2 semaphore(%arg12 : memref<!tpu.dma_semaphore, #tpu.memory_space<semaphore_mem>>) src(%dma_wait3A_588 : memref<16x1024xf32, #tpu.memory_space<vmem>>) dst(%dma_wait3A_584 : memref<16x1024xf32, #tpu.memory_space<hbm>>)
        } else {
        }
        %mul3A_559 = arith.constant 16 : i32
        %mul3A_560 = arith.muli %add3A_256, %mul3A_559 : i32
        %multiple_of3A_561 = tpu.assume_multiple %mul3A_560, 16 : i32
        %dma_start3A_562 = arith.constant 0 : i32
        %dma_start3A_563 = arith.constant 0 : i32
        %dma_start3A_564 = arith.constant 0 : i32
        %dma_start3A_565 = tpu.memref_slice %arg6[%dma_start3A_562, %dma_start3A_563, %dma_start3A_564] : memref<4x16x1024xf32, #tpu.memory_space<vmem>> -> memref<1x16x1024xf32, #tpu.memory_space<vmem>>
        %dma_start3A_566 = tpu.memref_squeeze %dma_start3A_565 : memref<1x16x1024xf32, #tpu.memory_space<vmem>> -> memref<16x1024xf32, #tpu.memory_space<vmem>>
        %dma_start3A_567 = tpu.memref_slice %arg5[%multiple_of3A_561] : memref<1024xi32, #tpu.memory_space<vmem>> -> memref<16xi32, #tpu.memory_space<vmem>>
        %dma_start3A_568 = arith.constant 0 : i32
        %dma_start3A_569 = arith.constant 0 : i32
        %dma_start3A_570 = tpu.memref_slice %arg3[%dma_start3A_568, %dma_start3A_569] : memref<8192x1024xf32, #tpu.memory_space<hbm>> -> memref<8192x1024xf32, #tpu.memory_space<hbm>>
        tpu.enqueue_indirect_dma source(%dma_start3A_570 : memref<8192x1024xf32, #tpu.memory_space<hbm>>) target(%dma_start3A_566 : memref<16x1024xf32, #tpu.memory_space<vmem>>) offsets(%dma_start3A_567 : memref<16xi32, #tpu.memory_space<vmem>>) semaphore(%arg8 : memref<!tpu.dma_semaphore, #tpu.memory_space<semaphore_mem>>)
      } else {
      }
      %dma_wait3A_262 = arith.constant 1 : i32
      %dma_wait3A_263 = arith.constant 0 : i32
      %dma_wait3A_264 = arith.constant 0 : i32
      %dma_wait3A_265 = tpu.memref_slice %arg6[%dma_wait3A_262, %dma_wait3A_263, %dma_wait3A_264] : memref<4x16x1024xf32, #tpu.memory_space<vmem>> -> memref<1x16x1024xf32, #tpu.memory_space<vmem>>
      %dma_wait3A_266 = tpu.memref_squeeze %dma_wait3A_265 : memref<1x16x1024xf32, #tpu.memory_space<vmem>> -> memref<16x1024xf32, #tpu.memory_space<vmem>>
      %dma_wait3A_267 = arith.constant 0 : i32
      %dma_wait3A_268 = tpu.memref_slice %arg5[%dma_wait3A_267] : memref<1024xi32, #tpu.memory_space<vmem>> -> memref<16xi32, #tpu.memory_space<vmem>>
      %dma_wait3A_269 = arith.constant 0 : i32
      %dma_wait3A_270 = arith.constant 0 : i32
      %dma_wait3A_271 = tpu.memref_slice %arg3[%dma_wait3A_269, %dma_wait3A_270] : memref<8192x1024xf32, #tpu.memory_space<hbm>> -> memref<8192x1024xf32, #tpu.memory_space<hbm>>
      tpu.wait_indirect_dma semaphore(%arg9 : memref<!tpu.dma_semaphore, #tpu.memory_space<semaphore_mem>>) src(%dma_wait3A_271 : memref<8192x1024xf32, #tpu.memory_space<hbm>>) dst(%dma_wait3A_266 : memref<16x1024xf32, #tpu.memory_space<vmem>>)
      %ge3A = arith.constant 5 : i32
      %ge3A_272 = arith.cmpi sge, %add3A_254, %ge3A : i32
      %convert_element_type3A_273 = arith.extui %ge3A_272 : i1 to i32
      %cond3A_274 = arith.constant 0 : i32
      %cond3A_275 = arith.cmpi ne, %convert_element_type3A_273, %cond3A_274 : i32
      scf.if %cond3A_275 {
        %add3A_554 = arith.constant 0 : i32
        %add3A_555 = arith.addi %mul3A_32, %add3A_554 : i32
        %multiple_of3A_556 = tpu.assume_multiple %add3A_555, 16 : i32
        %dma_wait3A_557 = arith.constant 0 : i32
        %dma_wait3A_558 = arith.constant 0 : i32
        %dma_wait3A_559 = tpu.memref_slice %arg4[%select_n3A, %multiple_of3A_556, %dma_wait3A_558] : memref<4x8192x1024xf32, #tpu.memory_space<hbm>> -> memref<1x16x1024xf32, #tpu.memory_space<hbm>>
        %dma_wait3A_560 = tpu.memref_squeeze %dma_wait3A_559 : memref<1x16x1024xf32, #tpu.memory_space<hbm>> -> memref<16x1024xf32, #tpu.memory_space<hbm>>
        %dma_wait3A_561 = arith.constant 0 : i32
        %dma_wait3A_562 = arith.constant 0 : i32
        %dma_wait3A_563 = tpu.memref_slice %arg7[%arg1, %dma_wait3A_557, %dma_wait3A_561, %dma_wait3A_562] : memref<16x3x16x1024xf32, #tpu.memory_space<vmem_shared>> -> memref<1x1x16x1024xf32, #tpu.memory_space<vmem_shared>>
        %dma_wait3A_564 = tpu.memref_squeeze %dma_wait3A_563 : memref<1x1x16x1024xf32, #tpu.memory_space<vmem_shared>> -> memref<16x1024xf32, #tpu.memory_space<vmem_shared>>
        tpu.wait_dma2 semaphore(%arg16 : memref<!tpu.dma_semaphore, #tpu.memory_space<semaphore_mem>>) src(%dma_wait3A_564 : memref<16x1024xf32, #tpu.memory_space<vmem_shared>>) dst(%dma_wait3A_560 : memref<16x1024xf32, #tpu.memory_space<hbm>>)
      } else {
      }
      %dma_start3A_276 = arith.constant 1 : i32
      %dma_start3A_277 = arith.constant 0 : i32
      %dma_start3A_278 = arith.constant 0 : i32
      %dma_start3A_279 = arith.constant 0 : i32
      %dma_start3A_280 = tpu.memref_slice %arg6[%dma_start3A_276, %dma_start3A_278, %dma_start3A_279] : memref<4x16x1024xf32, #tpu.memory_space<vmem>> -> memref<1x16x1024xf32, #tpu.memory_space<vmem>>
      %dma_start3A_281 = tpu.memref_squeeze %dma_start3A_280 : memref<1x16x1024xf32, #tpu.memory_space<vmem>> -> memref<16x1024xf32, #tpu.memory_space<vmem>>
      %dma_start3A_282 = arith.constant 0 : i32
      %dma_start3A_283 = arith.constant 0 : i32
      %dma_start3A_284 = tpu.memref_slice %arg7[%arg1, %dma_start3A_277, %dma_start3A_282, %dma_start3A_283] : memref<16x3x16x1024xf32, #tpu.memory_space<vmem_shared>> -> memref<1x1x16x1024xf32, #tpu.memory_space<vmem_shared>>
      %dma_start3A_285 = tpu.memref_squeeze %dma_start3A_284 : memref<1x1x16x1024xf32, #tpu.memory_space<vmem_shared>> -> memref<16x1024xf32, #tpu.memory_space<vmem_shared>>
      %dma_start3A_286 = arith.constant 0 : i32
      %dma_start3A_287 = arith.constant 0 : i32
      %dma_start3A_288 = tpu.memref_slice %arg7[%arg1, %dma_start3A_277, %dma_start3A_286, %dma_start3A_287] : memref<16x3x16x1024xf32, #tpu.memory_space<vmem_shared>> -> memref<1x1x16x1024xf32, #tpu.memory_space<vmem_shared>>
      %dma_start3A_289 = tpu.memref_squeeze %dma_start3A_288 : memref<1x1x16x1024xf32, #tpu.memory_space<vmem_shared>> -> memref<16x1024xf32, #tpu.memory_space<vmem_shared>>
      %dma_start3A_290 = arith.constant 0 : i32
      %dma_start3A_291 = arith.constant 0 : i32
      %dma_start3A_292 = tpu.memref_slice %arg6[%dma_start3A_276, %dma_start3A_290, %dma_start3A_291] : memref<4x16x1024xf32, #tpu.memory_space<vmem>> -> memref<1x16x1024xf32, #tpu.memory_space<vmem>>
      %dma_start3A_293 = tpu.memref_squeeze %dma_start3A_292 : memref<1x16x1024xf32, #tpu.memory_space<vmem>> -> memref<16x1024xf32, #tpu.memory_space<vmem>>
      tpu.enqueue_dma source(%dma_start3A_293 : memref<16x1024xf32, #tpu.memory_space<vmem>>) target(%dma_start3A_289 : memref<16x1024xf32, #tpu.memory_space<vmem_shared>>) target_semaphore(%arg13 : memref<!tpu.dma_semaphore, #tpu.memory_space<semaphore_mem>>)
      %mul3A_294 = arith.constant 8 : i32
      %mul3A_295 = arith.muli %mul3A_294, %scan3A_212 : i32
      %add3A_296 = arith.constant 2 : i32
      %add3A_297 = arith.addi %mul3A_295, %add3A_296 : i32
      %add3A_298 = arith.constant 3 : i32
      %add3A_299 = arith.addi %add3A_297, %add3A_298 : i32
      %lt3A_300 = arith.constant 64 : i32
      %lt3A_301 = arith.cmpi slt, %add3A_299, %lt3A_300 : i32
      %convert_element_type3A_302 = arith.extui %lt3A_301 : i1 to i32
      %cond3A_303 = arith.constant 0 : i32
      %cond3A_304 = arith.cmpi ne, %convert_element_type3A_302, %cond3A_303 : i32
      scf.if %cond3A_304 {
        %ge3A_554 = arith.constant 4 : i32
        %ge3A_555 = arith.cmpi sge, %add3A_299, %ge3A_554 : i32
        %convert_element_type3A_556 = arith.extui %ge3A_555 : i1 to i32
        %cond3A_557 = arith.constant 0 : i32
        %cond3A_558 = arith.cmpi ne, %convert_element_type3A_556, %cond3A_557 : i32
        scf.if %cond3A_558 {
          %dma_wait3A_571 = arith.constant 1 : i32
          %dma_wait3A_572 = arith.constant 0 : i32
          %dma_wait3A_573 = arith.constant 0 : i32
          %dma_wait3A_574 = arith.constant 0 : i32
          %dma_wait3A_575 = tpu.memref_slice %arg6[%dma_wait3A_571, %dma_wait3A_573, %dma_wait3A_574] : memref<4x16x1024xf32, #tpu.memory_space<vmem>> -> memref<1x16x1024xf32, #tpu.memory_space<vmem>>
          %dma_wait3A_576 = tpu.memref_squeeze %dma_wait3A_575 : memref<1x16x1024xf32, #tpu.memory_space<vmem>> -> memref<16x1024xf32, #tpu.memory_space<vmem>>
          %dma_wait3A_577 = arith.constant 0 : i32
          %dma_wait3A_578 = arith.constant 0 : i32
          %dma_wait3A_579 = tpu.memref_slice %arg7[%arg1, %dma_wait3A_572, %dma_wait3A_577, %dma_wait3A_578] : memref<16x3x16x1024xf32, #tpu.memory_space<vmem_shared>> -> memref<1x1x16x1024xf32, #tpu.memory_space<vmem_shared>>
          %dma_wait3A_580 = tpu.memref_squeeze %dma_wait3A_579 : memref<1x1x16x1024xf32, #tpu.memory_space<vmem_shared>> -> memref<16x1024xf32, #tpu.memory_space<vmem_shared>>
          %dma_wait3A_581 = arith.constant 0 : i32
          %dma_wait3A_582 = arith.constant 0 : i32
          %dma_wait3A_583 = tpu.memref_slice %arg7[%arg1, %dma_wait3A_572, %dma_wait3A_581, %dma_wait3A_582] : memref<16x3x16x1024xf32, #tpu.memory_space<vmem_shared>> -> memref<1x1x16x1024xf32, #tpu.memory_space<vmem_shared>>
          %dma_wait3A_584 = tpu.memref_squeeze %dma_wait3A_583 : memref<1x1x16x1024xf32, #tpu.memory_space<vmem_shared>> -> memref<16x1024xf32, #tpu.memory_space<vmem_shared>>
          %dma_wait3A_585 = arith.constant 0 : i32
          %dma_wait3A_586 = arith.constant 0 : i32
          %dma_wait3A_587 = tpu.memref_slice %arg6[%dma_wait3A_571, %dma_wait3A_585, %dma_wait3A_586] : memref<4x16x1024xf32, #tpu.memory_space<vmem>> -> memref<1x16x1024xf32, #tpu.memory_space<vmem>>
          %dma_wait3A_588 = tpu.memref_squeeze %dma_wait3A_587 : memref<1x16x1024xf32, #tpu.memory_space<vmem>> -> memref<16x1024xf32, #tpu.memory_space<vmem>>
          tpu.wait_dma2 semaphore(%arg13 : memref<!tpu.dma_semaphore, #tpu.memory_space<semaphore_mem>>) src(%dma_wait3A_588 : memref<16x1024xf32, #tpu.memory_space<vmem>>) dst(%dma_wait3A_584 : memref<16x1024xf32, #tpu.memory_space<vmem_shared>>)
          %sub3A_589 = arith.constant 4 : i32
          %sub3A_590 = arith.subi %add3A_299, %sub3A_589 : i32
          %mul3A_591 = arith.constant 16 : i32
          %mul3A_592 = arith.muli %sub3A_590, %mul3A_591 : i32
          %add3A_593 = arith.addi %mul3A_32, %mul3A_592 : i32
          %multiple_of3A_594 = tpu.assume_multiple %add3A_593, 16 : i32
          %dma_start3A_595 = arith.constant 0 : i32
          %dma_start3A_596 = arith.constant 0 : i32
          %dma_start3A_597 = tpu.memref_slice %arg4[%select_n3A, %multiple_of3A_594, %dma_start3A_596] : memref<4x8192x1024xf32, #tpu.memory_space<hbm>> -> memref<1x16x1024xf32, #tpu.memory_space<hbm>>
          %dma_start3A_598 = tpu.memref_squeeze %dma_start3A_597 : memref<1x16x1024xf32, #tpu.memory_space<hbm>> -> memref<16x1024xf32, #tpu.memory_space<hbm>>
          %dma_start3A_599 = arith.constant 0 : i32
          %dma_start3A_600 = arith.constant 0 : i32
          %dma_start3A_601 = tpu.memref_slice %arg7[%arg1, %dma_start3A_595, %dma_start3A_599, %dma_start3A_600] : memref<16x3x16x1024xf32, #tpu.memory_space<vmem_shared>> -> memref<1x1x16x1024xf32, #tpu.memory_space<vmem_shared>>
          %dma_start3A_602 = tpu.memref_squeeze %dma_start3A_601 : memref<1x1x16x1024xf32, #tpu.memory_space<vmem_shared>> -> memref<16x1024xf32, #tpu.memory_space<vmem_shared>>
          tpu.enqueue_dma source(%dma_start3A_602 : memref<16x1024xf32, #tpu.memory_space<vmem_shared>>) target(%dma_start3A_598 : memref<16x1024xf32, #tpu.memory_space<hbm>>) target_semaphore(%arg16 : memref<!tpu.dma_semaphore, #tpu.memory_space<semaphore_mem>>)
        } else {
        }
        %mul3A_559 = arith.constant 16 : i32
        %mul3A_560 = arith.muli %add3A_299, %mul3A_559 : i32
        %multiple_of3A_561 = tpu.assume_multiple %mul3A_560, 16 : i32
        %dma_start3A_562 = arith.constant 1 : i32
        %dma_start3A_563 = arith.constant 0 : i32
        %dma_start3A_564 = arith.constant 0 : i32
        %dma_start3A_565 = tpu.memref_slice %arg6[%dma_start3A_562, %dma_start3A_563, %dma_start3A_564] : memref<4x16x1024xf32, #tpu.memory_space<vmem>> -> memref<1x16x1024xf32, #tpu.memory_space<vmem>>
        %dma_start3A_566 = tpu.memref_squeeze %dma_start3A_565 : memref<1x16x1024xf32, #tpu.memory_space<vmem>> -> memref<16x1024xf32, #tpu.memory_space<vmem>>
        %dma_start3A_567 = tpu.memref_slice %arg5[%multiple_of3A_561] : memref<1024xi32, #tpu.memory_space<vmem>> -> memref<16xi32, #tpu.memory_space<vmem>>
        %dma_start3A_568 = arith.constant 0 : i32
        %dma_start3A_569 = arith.constant 0 : i32
        %dma_start3A_570 = tpu.memref_slice %arg3[%dma_start3A_568, %dma_start3A_569] : memref<8192x1024xf32, #tpu.memory_space<hbm>> -> memref<8192x1024xf32, #tpu.memory_space<hbm>>
        tpu.enqueue_indirect_dma source(%dma_start3A_570 : memref<8192x1024xf32, #tpu.memory_space<hbm>>) target(%dma_start3A_566 : memref<16x1024xf32, #tpu.memory_space<vmem>>) offsets(%dma_start3A_567 : memref<16xi32, #tpu.memory_space<vmem>>) semaphore(%arg9 : memref<!tpu.dma_semaphore, #tpu.memory_space<semaphore_mem>>)
      } else {
      }
      %dma_wait3A_305 = arith.constant 2 : i32
      %dma_wait3A_306 = arith.constant 0 : i32
      %dma_wait3A_307 = arith.constant 0 : i32
      %dma_wait3A_308 = tpu.memref_slice %arg6[%dma_wait3A_305, %dma_wait3A_306, %dma_wait3A_307] : memref<4x16x1024xf32, #tpu.memory_space<vmem>> -> memref<1x16x1024xf32, #tpu.memory_space<vmem>>
      %dma_wait3A_309 = tpu.memref_squeeze %dma_wait3A_308 : memref<1x16x1024xf32, #tpu.memory_space<vmem>> -> memref<16x1024xf32, #tpu.memory_space<vmem>>
      %dma_wait3A_310 = arith.constant 0 : i32
      %dma_wait3A_311 = tpu.memref_slice %arg5[%dma_wait3A_310] : memref<1024xi32, #tpu.memory_space<vmem>> -> memref<16xi32, #tpu.memory_space<vmem>>
      %dma_wait3A_312 = arith.constant 0 : i32
      %dma_wait3A_313 = arith.constant 0 : i32
      %dma_wait3A_314 = tpu.memref_slice %arg3[%dma_wait3A_312, %dma_wait3A_313] : memref<8192x1024xf32, #tpu.memory_space<hbm>> -> memref<8192x1024xf32, #tpu.memory_space<hbm>>
      tpu.wait_indirect_dma semaphore(%arg10 : memref<!tpu.dma_semaphore, #tpu.memory_space<semaphore_mem>>) src(%dma_wait3A_314 : memref<8192x1024xf32, #tpu.memory_space<hbm>>) dst(%dma_wait3A_309 : memref<16x1024xf32, #tpu.memory_space<vmem>>)
      %ge3A_315 = arith.constant 5 : i32
      %ge3A_316 = arith.cmpi sge, %add3A_297, %ge3A_315 : i32
      %convert_element_type3A_317 = arith.extui %ge3A_316 : i1 to i32
      %cond3A_318 = arith.constant 0 : i32
      %cond3A_319 = arith.cmpi ne, %convert_element_type3A_317, %cond3A_318 : i32
      scf.if %cond3A_319 {
        %add3A_554 = arith.constant 0 : i32
        %add3A_555 = arith.addi %mul3A_32, %add3A_554 : i32
        %multiple_of3A_556 = tpu.assume_multiple %add3A_555, 16 : i32
        %dma_wait3A_557 = arith.constant 1 : i32
        %dma_wait3A_558 = arith.constant 0 : i32
        %dma_wait3A_559 = tpu.memref_slice %arg4[%select_n3A, %multiple_of3A_556, %dma_wait3A_558] : memref<4x8192x1024xf32, #tpu.memory_space<hbm>> -> memref<1x16x1024xf32, #tpu.memory_space<hbm>>
        %dma_wait3A_560 = tpu.memref_squeeze %dma_wait3A_559 : memref<1x16x1024xf32, #tpu.memory_space<hbm>> -> memref<16x1024xf32, #tpu.memory_space<hbm>>
        %dma_wait3A_561 = arith.constant 0 : i32
        %dma_wait3A_562 = arith.constant 0 : i32
        %dma_wait3A_563 = tpu.memref_slice %arg7[%arg1, %dma_wait3A_557, %dma_wait3A_561, %dma_wait3A_562] : memref<16x3x16x1024xf32, #tpu.memory_space<vmem_shared>> -> memref<1x1x16x1024xf32, #tpu.memory_space<vmem_shared>>
        %dma_wait3A_564 = tpu.memref_squeeze %dma_wait3A_563 : memref<1x1x16x1024xf32, #tpu.memory_space<vmem_shared>> -> memref<16x1024xf32, #tpu.memory_space<vmem_shared>>
        tpu.wait_dma2 semaphore(%arg17 : memref<!tpu.dma_semaphore, #tpu.memory_space<semaphore_mem>>) src(%dma_wait3A_564 : memref<16x1024xf32, #tpu.memory_space<vmem_shared>>) dst(%dma_wait3A_560 : memref<16x1024xf32, #tpu.memory_space<hbm>>)
      } else {
      }
      %dma_start3A_320 = arith.constant 2 : i32
      %dma_start3A_321 = arith.constant 1 : i32
      %dma_start3A_322 = arith.constant 0 : i32
      %dma_start3A_323 = arith.constant 0 : i32
      %dma_start3A_324 = tpu.memref_slice %arg6[%dma_start3A_320, %dma_start3A_322, %dma_start3A_323] : memref<4x16x1024xf32, #tpu.memory_space<vmem>> -> memref<1x16x1024xf32, #tpu.memory_space<vmem>>
      %dma_start3A_325 = tpu.memref_squeeze %dma_start3A_324 : memref<1x16x1024xf32, #tpu.memory_space<vmem>> -> memref<16x1024xf32, #tpu.memory_space<vmem>>
      %dma_start3A_326 = arith.constant 0 : i32
      %dma_start3A_327 = arith.constant 0 : i32
      %dma_start3A_328 = tpu.memref_slice %arg7[%arg1, %dma_start3A_321, %dma_start3A_326, %dma_start3A_327] : memref<16x3x16x1024xf32, #tpu.memory_space<vmem_shared>> -> memref<1x1x16x1024xf32, #tpu.memory_space<vmem_shared>>
      %dma_start3A_329 = tpu.memref_squeeze %dma_start3A_328 : memref<1x1x16x1024xf32, #tpu.memory_space<vmem_shared>> -> memref<16x1024xf32, #tpu.memory_space<vmem_shared>>
      %dma_start3A_330 = arith.constant 0 : i32
      %dma_start3A_331 = arith.constant 0 : i32
      %dma_start3A_332 = tpu.memref_slice %arg7[%arg1, %dma_start3A_321, %dma_start3A_330, %dma_start3A_331] : memref<16x3x16x1024xf32, #tpu.memory_space<vmem_shared>> -> memref<1x1x16x1024xf32, #tpu.memory_space<vmem_shared>>
      %dma_start3A_333 = tpu.memref_squeeze %dma_start3A_332 : memref<1x1x16x1024xf32, #tpu.memory_space<vmem_shared>> -> memref<16x1024xf32, #tpu.memory_space<vmem_shared>>
      %dma_start3A_334 = arith.constant 0 : i32
      %dma_start3A_335 = arith.constant 0 : i32
      %dma_start3A_336 = tpu.memref_slice %arg6[%dma_start3A_320, %dma_start3A_334, %dma_start3A_335] : memref<4x16x1024xf32, #tpu.memory_space<vmem>> -> memref<1x16x1024xf32, #tpu.memory_space<vmem>>
      %dma_start3A_337 = tpu.memref_squeeze %dma_start3A_336 : memref<1x16x1024xf32, #tpu.memory_space<vmem>> -> memref<16x1024xf32, #tpu.memory_space<vmem>>
      tpu.enqueue_dma source(%dma_start3A_337 : memref<16x1024xf32, #tpu.memory_space<vmem>>) target(%dma_start3A_333 : memref<16x1024xf32, #tpu.memory_space<vmem_shared>>) target_semaphore(%arg14 : memref<!tpu.dma_semaphore, #tpu.memory_space<semaphore_mem>>)
      %mul3A_338 = arith.constant 8 : i32
      %mul3A_339 = arith.muli %mul3A_338, %scan3A_212 : i32
      %add3A_340 = arith.constant 3 : i32
      %add3A_341 = arith.addi %mul3A_339, %add3A_340 : i32
      %add3A_342 = arith.constant 3 : i32
      %add3A_343 = arith.addi %add3A_341, %add3A_342 : i32
      %lt3A_344 = arith.constant 64 : i32
      %lt3A_345 = arith.cmpi slt, %add3A_343, %lt3A_344 : i32
      %convert_element_type3A_346 = arith.extui %lt3A_345 : i1 to i32
      %cond3A_347 = arith.constant 0 : i32
      %cond3A_348 = arith.cmpi ne, %convert_element_type3A_346, %cond3A_347 : i32
      scf.if %cond3A_348 {
        %ge3A_554 = arith.constant 4 : i32
        %ge3A_555 = arith.cmpi sge, %add3A_343, %ge3A_554 : i32
        %convert_element_type3A_556 = arith.extui %ge3A_555 : i1 to i32
        %cond3A_557 = arith.constant 0 : i32
        %cond3A_558 = arith.cmpi ne, %convert_element_type3A_556, %cond3A_557 : i32
        scf.if %cond3A_558 {
          %dma_wait3A_571 = arith.constant 2 : i32
          %dma_wait3A_572 = arith.constant 0 : i32
          %dma_wait3A_573 = arith.constant 0 : i32
          %dma_wait3A_574 = arith.constant 0 : i32
          %dma_wait3A_575 = tpu.memref_slice %arg6[%dma_wait3A_571, %dma_wait3A_573, %dma_wait3A_574] : memref<4x16x1024xf32, #tpu.memory_space<vmem>> -> memref<1x16x1024xf32, #tpu.memory_space<vmem>>
          %dma_wait3A_576 = tpu.memref_squeeze %dma_wait3A_575 : memref<1x16x1024xf32, #tpu.memory_space<vmem>> -> memref<16x1024xf32, #tpu.memory_space<vmem>>
          %dma_wait3A_577 = arith.constant 0 : i32
          %dma_wait3A_578 = arith.constant 0 : i32
          %dma_wait3A_579 = tpu.memref_slice %arg7[%arg1, %dma_wait3A_572, %dma_wait3A_577, %dma_wait3A_578] : memref<16x3x16x1024xf32, #tpu.memory_space<vmem_shared>> -> memref<1x1x16x1024xf32, #tpu.memory_space<vmem_shared>>
          %dma_wait3A_580 = tpu.memref_squeeze %dma_wait3A_579 : memref<1x1x16x1024xf32, #tpu.memory_space<vmem_shared>> -> memref<16x1024xf32, #tpu.memory_space<vmem_shared>>
          %dma_wait3A_581 = arith.constant 0 : i32
          %dma_wait3A_582 = arith.constant 0 : i32
          %dma_wait3A_583 = tpu.memref_slice %arg7[%arg1, %dma_wait3A_572, %dma_wait3A_581, %dma_wait3A_582] : memref<16x3x16x1024xf32, #tpu.memory_space<vmem_shared>> -> memref<1x1x16x1024xf32, #tpu.memory_space<vmem_shared>>
          %dma_wait3A_584 = tpu.memref_squeeze %dma_wait3A_583 : memref<1x1x16x1024xf32, #tpu.memory_space<vmem_shared>> -> memref<16x1024xf32, #tpu.memory_space<vmem_shared>>
          %dma_wait3A_585 = arith.constant 0 : i32
          %dma_wait3A_586 = arith.constant 0 : i32
          %dma_wait3A_587 = tpu.memref_slice %arg6[%dma_wait3A_571, %dma_wait3A_585, %dma_wait3A_586] : memref<4x16x1024xf32, #tpu.memory_space<vmem>> -> memref<1x16x1024xf32, #tpu.memory_space<vmem>>
          %dma_wait3A_588 = tpu.memref_squeeze %dma_wait3A_587 : memref<1x16x1024xf32, #tpu.memory_space<vmem>> -> memref<16x1024xf32, #tpu.memory_space<vmem>>
          tpu.wait_dma2 semaphore(%arg14 : memref<!tpu.dma_semaphore, #tpu.memory_space<semaphore_mem>>) src(%dma_wait3A_588 : memref<16x1024xf32, #tpu.memory_space<vmem>>) dst(%dma_wait3A_584 : memref<16x1024xf32, #tpu.memory_space<vmem_shared>>)
          %sub3A_589 = arith.constant 4 : i32
          %sub3A_590 = arith.subi %add3A_343, %sub3A_589 : i32
          %mul3A_591 = arith.constant 16 : i32
          %mul3A_592 = arith.muli %sub3A_590, %mul3A_591 : i32
          %add3A_593 = arith.addi %mul3A_32, %mul3A_592 : i32
          %multiple_of3A_594 = tpu.assume_multiple %add3A_593, 16 : i32
          %dma_start3A_595 = arith.constant 1 : i32
          %dma_start3A_596 = arith.constant 0 : i32
          %dma_start3A_597 = tpu.memref_slice %arg4[%select_n3A, %multiple_of3A_594, %dma_start3A_596] : memref<4x8192x1024xf32, #tpu.memory_space<hbm>> -> memref<1x16x1024xf32, #tpu.memory_space<hbm>>
          %dma_start3A_598 = tpu.memref_squeeze %dma_start3A_597 : memref<1x16x1024xf32, #tpu.memory_space<hbm>> -> memref<16x1024xf32, #tpu.memory_space<hbm>>
          %dma_start3A_599 = arith.constant 0 : i32
          %dma_start3A_600 = arith.constant 0 : i32
          %dma_start3A_601 = tpu.memref_slice %arg7[%arg1, %dma_start3A_595, %dma_start3A_599, %dma_start3A_600] : memref<16x3x16x1024xf32, #tpu.memory_space<vmem_shared>> -> memref<1x1x16x1024xf32, #tpu.memory_space<vmem_shared>>
          %dma_start3A_602 = tpu.memref_squeeze %dma_start3A_601 : memref<1x1x16x1024xf32, #tpu.memory_space<vmem_shared>> -> memref<16x1024xf32, #tpu.memory_space<vmem_shared>>
          tpu.enqueue_dma source(%dma_start3A_602 : memref<16x1024xf32, #tpu.memory_space<vmem_shared>>) target(%dma_start3A_598 : memref<16x1024xf32, #tpu.memory_space<hbm>>) target_semaphore(%arg17 : memref<!tpu.dma_semaphore, #tpu.memory_space<semaphore_mem>>)
        } else {
        }
        %mul3A_559 = arith.constant 16 : i32
        %mul3A_560 = arith.muli %add3A_343, %mul3A_559 : i32
        %multiple_of3A_561 = tpu.assume_multiple %mul3A_560, 16 : i32
        %dma_start3A_562 = arith.constant 2 : i32
        %dma_start3A_563 = arith.constant 0 : i32
        %dma_start3A_564 = arith.constant 0 : i32
        %dma_start3A_565 = tpu.memref_slice %arg6[%dma_start3A_562, %dma_start3A_563, %dma_start3A_564] : memref<4x16x1024xf32, #tpu.memory_space<vmem>> -> memref<1x16x1024xf32, #tpu.memory_space<vmem>>
        %dma_start3A_566 = tpu.memref_squeeze %dma_start3A_565 : memref<1x16x1024xf32, #tpu.memory_space<vmem>> -> memref<16x1024xf32, #tpu.memory_space<vmem>>
        %dma_start3A_567 = tpu.memref_slice %arg5[%multiple_of3A_561] : memref<1024xi32, #tpu.memory_space<vmem>> -> memref<16xi32, #tpu.memory_space<vmem>>
        %dma_start3A_568 = arith.constant 0 : i32
        %dma_start3A_569 = arith.constant 0 : i32
        %dma_start3A_570 = tpu.memref_slice %arg3[%dma_start3A_568, %dma_start3A_569] : memref<8192x1024xf32, #tpu.memory_space<hbm>> -> memref<8192x1024xf32, #tpu.memory_space<hbm>>
        tpu.enqueue_indirect_dma source(%dma_start3A_570 : memref<8192x1024xf32, #tpu.memory_space<hbm>>) target(%dma_start3A_566 : memref<16x1024xf32, #tpu.memory_space<vmem>>) offsets(%dma_start3A_567 : memref<16xi32, #tpu.memory_space<vmem>>) semaphore(%arg10 : memref<!tpu.dma_semaphore, #tpu.memory_space<semaphore_mem>>)
      } else {
      }
      %dma_wait3A_349 = arith.constant 3 : i32
      %dma_wait3A_350 = arith.constant 0 : i32
      %dma_wait3A_351 = arith.constant 0 : i32
      %dma_wait3A_352 = tpu.memref_slice %arg6[%dma_wait3A_349, %dma_wait3A_350, %dma_wait3A_351] : memref<4x16x1024xf32, #tpu.memory_space<vmem>> -> memref<1x16x1024xf32, #tpu.memory_space<vmem>>
      %dma_wait3A_353 = tpu.memref_squeeze %dma_wait3A_352 : memref<1x16x1024xf32, #tpu.memory_space<vmem>> -> memref<16x1024xf32, #tpu.memory_space<vmem>>
      %dma_wait3A_354 = arith.constant 0 : i32
      %dma_wait3A_355 = tpu.memref_slice %arg5[%dma_wait3A_354] : memref<1024xi32, #tpu.memory_space<vmem>> -> memref<16xi32, #tpu.memory_space<vmem>>
      %dma_wait3A_356 = arith.constant 0 : i32
      %dma_wait3A_357 = arith.constant 0 : i32
      %dma_wait3A_358 = tpu.memref_slice %arg3[%dma_wait3A_356, %dma_wait3A_357] : memref<8192x1024xf32, #tpu.memory_space<hbm>> -> memref<8192x1024xf32, #tpu.memory_space<hbm>>
      tpu.wait_indirect_dma semaphore(%arg11 : memref<!tpu.dma_semaphore, #tpu.memory_space<semaphore_mem>>) src(%dma_wait3A_358 : memref<8192x1024xf32, #tpu.memory_space<hbm>>) dst(%dma_wait3A_353 : memref<16x1024xf32, #tpu.memory_space<vmem>>)
      %ge3A_359 = arith.constant 5 : i32
      %ge3A_360 = arith.cmpi sge, %add3A_341, %ge3A_359 : i32
      %convert_element_type3A_361 = arith.extui %ge3A_360 : i1 to i32
      %cond3A_362 = arith.constant 0 : i32
      %cond3A_363 = arith.cmpi ne, %convert_element_type3A_361, %cond3A_362 : i32
      scf.if %cond3A_363 {
        %add3A_554 = arith.constant 0 : i32
        %add3A_555 = arith.addi %mul3A_32, %add3A_554 : i32
        %multiple_of3A_556 = tpu.assume_multiple %add3A_555, 16 : i32
        %dma_wait3A_557 = arith.constant 2 : i32
        %dma_wait3A_558 = arith.constant 0 : i32
        %dma_wait3A_559 = tpu.memref_slice %arg4[%select_n3A, %multiple_of3A_556, %dma_wait3A_558] : memref<4x8192x1024xf32, #tpu.memory_space<hbm>> -> memref<1x16x1024xf32, #tpu.memory_space<hbm>>
        %dma_wait3A_560 = tpu.memref_squeeze %dma_wait3A_559 : memref<1x16x1024xf32, #tpu.memory_space<hbm>> -> memref<16x1024xf32, #tpu.memory_space<hbm>>
        %dma_wait3A_561 = arith.constant 0 : i32
        %dma_wait3A_562 = arith.constant 0 : i32
        %dma_wait3A_563 = tpu.memref_slice %arg7[%arg1, %dma_wait3A_557, %dma_wait3A_561, %dma_wait3A_562] : memref<16x3x16x1024xf32, #tpu.memory_space<vmem_shared>> -> memref<1x1x16x1024xf32, #tpu.memory_space<vmem_shared>>
        %dma_wait3A_564 = tpu.memref_squeeze %dma_wait3A_563 : memref<1x1x16x1024xf32, #tpu.memory_space<vmem_shared>> -> memref<16x1024xf32, #tpu.memory_space<vmem_shared>>
        tpu.wait_dma2 semaphore(%arg18 : memref<!tpu.dma_semaphore, #tpu.memory_space<semaphore_mem>>) src(%dma_wait3A_564 : memref<16x1024xf32, #tpu.memory_space<vmem_shared>>) dst(%dma_wait3A_560 : memref<16x1024xf32, #tpu.memory_space<hbm>>)
      } else {
      }
      %dma_start3A_364 = arith.constant 3 : i32
      %dma_start3A_365 = arith.constant 2 : i32
      %dma_start3A_366 = arith.constant 0 : i32
      %dma_start3A_367 = arith.constant 0 : i32
      %dma_start3A_368 = tpu.memref_slice %arg6[%dma_start3A_364, %dma_start3A_366, %dma_start3A_367] : memref<4x16x1024xf32, #tpu.memory_space<vmem>> -> memref<1x16x1024xf32, #tpu.memory_space<vmem>>
      %dma_start3A_369 = tpu.memref_squeeze %dma_start3A_368 : memref<1x16x1024xf32, #tpu.memory_space<vmem>> -> memref<16x1024xf32, #tpu.memory_space<vmem>>
      %dma_start3A_370 = arith.constant 0 : i32
      %dma_start3A_371 = arith.constant 0 : i32
      %dma_start3A_372 = tpu.memref_slice %arg7[%arg1, %dma_start3A_365, %dma_start3A_370, %dma_start3A_371] : memref<16x3x16x1024xf32, #tpu.memory_space<vmem_shared>> -> memref<1x1x16x1024xf32, #tpu.memory_space<vmem_shared>>
      %dma_start3A_373 = tpu.memref_squeeze %dma_start3A_372 : memref<1x1x16x1024xf32, #tpu.memory_space<vmem_shared>> -> memref<16x1024xf32, #tpu.memory_space<vmem_shared>>
      %dma_start3A_374 = arith.constant 0 : i32
      %dma_start3A_375 = arith.constant 0 : i32
      %dma_start3A_376 = tpu.memref_slice %arg7[%arg1, %dma_start3A_365, %dma_start3A_374, %dma_start3A_375] : memref<16x3x16x1024xf32, #tpu.memory_space<vmem_shared>> -> memref<1x1x16x1024xf32, #tpu.memory_space<vmem_shared>>
      %dma_start3A_377 = tpu.memref_squeeze %dma_start3A_376 : memref<1x1x16x1024xf32, #tpu.memory_space<vmem_shared>> -> memref<16x1024xf32, #tpu.memory_space<vmem_shared>>
      %dma_start3A_378 = arith.constant 0 : i32
      %dma_start3A_379 = arith.constant 0 : i32
      %dma_start3A_380 = tpu.memref_slice %arg6[%dma_start3A_364, %dma_start3A_378, %dma_start3A_379] : memref<4x16x1024xf32, #tpu.memory_space<vmem>> -> memref<1x16x1024xf32, #tpu.memory_space<vmem>>
      %dma_start3A_381 = tpu.memref_squeeze %dma_start3A_380 : memref<1x16x1024xf32, #tpu.memory_space<vmem>> -> memref<16x1024xf32, #tpu.memory_space<vmem>>
      tpu.enqueue_dma source(%dma_start3A_381 : memref<16x1024xf32, #tpu.memory_space<vmem>>) target(%dma_start3A_377 : memref<16x1024xf32, #tpu.memory_space<vmem_shared>>) target_semaphore(%arg15 : memref<!tpu.dma_semaphore, #tpu.memory_space<semaphore_mem>>)
      %mul3A_382 = arith.constant 8 : i32
      %mul3A_383 = arith.muli %mul3A_382, %scan3A_212 : i32
      %add3A_384 = arith.constant 4 : i32
      %add3A_385 = arith.addi %mul3A_383, %add3A_384 : i32
      %add3A_386 = arith.constant 3 : i32
      %add3A_387 = arith.addi %add3A_385, %add3A_386 : i32
      %lt3A_388 = arith.constant 64 : i32
      %lt3A_389 = arith.cmpi slt, %add3A_387, %lt3A_388 : i32
      %convert_element_type3A_390 = arith.extui %lt3A_389 : i1 to i32
      %cond3A_391 = arith.constant 0 : i32
      %cond3A_392 = arith.cmpi ne, %convert_element_type3A_390, %cond3A_391 : i32
      scf.if %cond3A_392 {
        %ge3A_554 = arith.constant 4 : i32
        %ge3A_555 = arith.cmpi sge, %add3A_387, %ge3A_554 : i32
        %convert_element_type3A_556 = arith.extui %ge3A_555 : i1 to i32
        %cond3A_557 = arith.constant 0 : i32
        %cond3A_558 = arith.cmpi ne, %convert_element_type3A_556, %cond3A_557 : i32
        scf.if %cond3A_558 {
          %dma_wait3A_571 = arith.constant 3 : i32
          %dma_wait3A_572 = arith.constant 0 : i32
          %dma_wait3A_573 = arith.constant 0 : i32
          %dma_wait3A_574 = arith.constant 0 : i32
          %dma_wait3A_575 = tpu.memref_slice %arg6[%dma_wait3A_571, %dma_wait3A_573, %dma_wait3A_574] : memref<4x16x1024xf32, #tpu.memory_space<vmem>> -> memref<1x16x1024xf32, #tpu.memory_space<vmem>>
          %dma_wait3A_576 = tpu.memref_squeeze %dma_wait3A_575 : memref<1x16x1024xf32, #tpu.memory_space<vmem>> -> memref<16x1024xf32, #tpu.memory_space<vmem>>
          %dma_wait3A_577 = arith.constant 0 : i32
          %dma_wait3A_578 = arith.constant 0 : i32
          %dma_wait3A_579 = tpu.memref_slice %arg7[%arg1, %dma_wait3A_572, %dma_wait3A_577, %dma_wait3A_578] : memref<16x3x16x1024xf32, #tpu.memory_space<vmem_shared>> -> memref<1x1x16x1024xf32, #tpu.memory_space<vmem_shared>>
          %dma_wait3A_580 = tpu.memref_squeeze %dma_wait3A_579 : memref<1x1x16x1024xf32, #tpu.memory_space<vmem_shared>> -> memref<16x1024xf32, #tpu.memory_space<vmem_shared>>
          %dma_wait3A_581 = arith.constant 0 : i32
          %dma_wait3A_582 = arith.constant 0 : i32
          %dma_wait3A_583 = tpu.memref_slice %arg7[%arg1, %dma_wait3A_572, %dma_wait3A_581, %dma_wait3A_582] : memref<16x3x16x1024xf32, #tpu.memory_space<vmem_shared>> -> memref<1x1x16x1024xf32, #tpu.memory_space<vmem_shared>>
          %dma_wait3A_584 = tpu.memref_squeeze %dma_wait3A_583 : memref<1x1x16x1024xf32, #tpu.memory_space<vmem_shared>> -> memref<16x1024xf32, #tpu.memory_space<vmem_shared>>
          %dma_wait3A_585 = arith.constant 0 : i32
          %dma_wait3A_586 = arith.constant 0 : i32
          %dma_wait3A_587 = tpu.memref_slice %arg6[%dma_wait3A_571, %dma_wait3A_585, %dma_wait3A_586] : memref<4x16x1024xf32, #tpu.memory_space<vmem>> -> memref<1x16x1024xf32, #tpu.memory_space<vmem>>
          %dma_wait3A_588 = tpu.memref_squeeze %dma_wait3A_587 : memref<1x16x1024xf32, #tpu.memory_space<vmem>> -> memref<16x1024xf32, #tpu.memory_space<vmem>>
          tpu.wait_dma2 semaphore(%arg15 : memref<!tpu.dma_semaphore, #tpu.memory_space<semaphore_mem>>) src(%dma_wait3A_588 : memref<16x1024xf32, #tpu.memory_space<vmem>>) dst(%dma_wait3A_584 : memref<16x1024xf32, #tpu.memory_space<vmem_shared>>)
          %sub3A_589 = arith.constant 4 : i32
          %sub3A_590 = arith.subi %add3A_387, %sub3A_589 : i32
          %mul3A_591 = arith.constant 16 : i32
          %mul3A_592 = arith.muli %sub3A_590, %mul3A_591 : i32
          %add3A_593 = arith.addi %mul3A_32, %mul3A_592 : i32
          %multiple_of3A_594 = tpu.assume_multiple %add3A_593, 16 : i32
          %dma_start3A_595 = arith.constant 2 : i32
          %dma_start3A_596 = arith.constant 0 : i32
          %dma_start3A_597 = tpu.memref_slice %arg4[%select_n3A, %multiple_of3A_594, %dma_start3A_596] : memref<4x8192x1024xf32, #tpu.memory_space<hbm>> -> memref<1x16x1024xf32, #tpu.memory_space<hbm>>
          %dma_start3A_598 = tpu.memref_squeeze %dma_start3A_597 : memref<1x16x1024xf32, #tpu.memory_space<hbm>> -> memref<16x1024xf32, #tpu.memory_space<hbm>>
          %dma_start3A_599 = arith.constant 0 : i32
          %dma_start3A_600 = arith.constant 0 : i32
          %dma_start3A_601 = tpu.memref_slice %arg7[%arg1, %dma_start3A_595, %dma_start3A_599, %dma_start3A_600] : memref<16x3x16x1024xf32, #tpu.memory_space<vmem_shared>> -> memref<1x1x16x1024xf32, #tpu.memory_space<vmem_shared>>
          %dma_start3A_602 = tpu.memref_squeeze %dma_start3A_601 : memref<1x1x16x1024xf32, #tpu.memory_space<vmem_shared>> -> memref<16x1024xf32, #tpu.memory_space<vmem_shared>>
          tpu.enqueue_dma source(%dma_start3A_602 : memref<16x1024xf32, #tpu.memory_space<vmem_shared>>) target(%dma_start3A_598 : memref<16x1024xf32, #tpu.memory_space<hbm>>) target_semaphore(%arg18 : memref<!tpu.dma_semaphore, #tpu.memory_space<semaphore_mem>>)
        } else {
        }
        %mul3A_559 = arith.constant 16 : i32
        %mul3A_560 = arith.muli %add3A_387, %mul3A_559 : i32
        %multiple_of3A_561 = tpu.assume_multiple %mul3A_560, 16 : i32
        %dma_start3A_562 = arith.constant 3 : i32
        %dma_start3A_563 = arith.constant 0 : i32
        %dma_start3A_564 = arith.constant 0 : i32
        %dma_start3A_565 = tpu.memref_slice %arg6[%dma_start3A_562, %dma_start3A_563, %dma_start3A_564] : memref<4x16x1024xf32, #tpu.memory_space<vmem>> -> memref<1x16x1024xf32, #tpu.memory_space<vmem>>
        %dma_start3A_566 = tpu.memref_squeeze %dma_start3A_565 : memref<1x16x1024xf32, #tpu.memory_space<vmem>> -> memref<16x1024xf32, #tpu.memory_space<vmem>>
        %dma_start3A_567 = tpu.memref_slice %arg5[%multiple_of3A_561] : memref<1024xi32, #tpu.memory_space<vmem>> -> memref<16xi32, #tpu.memory_space<vmem>>
        %dma_start3A_568 = arith.constant 0 : i32
        %dma_start3A_569 = arith.constant 0 : i32
        %dma_start3A_570 = tpu.memref_slice %arg3[%dma_start3A_568, %dma_start3A_569] : memref<8192x1024xf32, #tpu.memory_space<hbm>> -> memref<8192x1024xf32, #tpu.memory_space<hbm>>
        tpu.enqueue_indirect_dma source(%dma_start3A_570 : memref<8192x1024xf32, #tpu.memory_space<hbm>>) target(%dma_start3A_566 : memref<16x1024xf32, #tpu.memory_space<vmem>>) offsets(%dma_start3A_567 : memref<16xi32, #tpu.memory_space<vmem>>) semaphore(%arg11 : memref<!tpu.dma_semaphore, #tpu.memory_space<semaphore_mem>>)
      } else {
      }
      %dma_wait3A_393 = arith.constant 0 : i32
      %dma_wait3A_394 = arith.constant 0 : i32
      %dma_wait3A_395 = arith.constant 0 : i32
      %dma_wait3A_396 = tpu.memref_slice %arg6[%dma_wait3A_393, %dma_wait3A_394, %dma_wait3A_395] : memref<4x16x1024xf32, #tpu.memory_space<vmem>> -> memref<1x16x1024xf32, #tpu.memory_space<vmem>>
      %dma_wait3A_397 = tpu.memref_squeeze %dma_wait3A_396 : memref<1x16x1024xf32, #tpu.memory_space<vmem>> -> memref<16x1024xf32, #tpu.memory_space<vmem>>
      %dma_wait3A_398 = arith.constant 0 : i32
      %dma_wait3A_399 = tpu.memref_slice %arg5[%dma_wait3A_398] : memref<1024xi32, #tpu.memory_space<vmem>> -> memref<16xi32, #tpu.memory_space<vmem>>
      %dma_wait3A_400 = arith.constant 0 : i32
      %dma_wait3A_401 = arith.constant 0 : i32
      %dma_wait3A_402 = tpu.memref_slice %arg3[%dma_wait3A_400, %dma_wait3A_401] : memref<8192x1024xf32, #tpu.memory_space<hbm>> -> memref<8192x1024xf32, #tpu.memory_space<hbm>>
      tpu.wait_indirect_dma semaphore(%arg8 : memref<!tpu.dma_semaphore, #tpu.memory_space<semaphore_mem>>) src(%dma_wait3A_402 : memref<8192x1024xf32, #tpu.memory_space<hbm>>) dst(%dma_wait3A_397 : memref<16x1024xf32, #tpu.memory_space<vmem>>)
      %mul3A_403 = arith.constant 16 : i32
      %mul3A_404 = arith.muli %add3A_385, %mul3A_403 : i32
      %add3A_405 = arith.addi %mul3A_32, %mul3A_404 : i32
      %multiple_of3A_406 = tpu.assume_multiple %add3A_405, 16 : i32
      %dma_start3A_407 = arith.constant 0 : i32
      %dma_start3A_408 = arith.constant 0 : i32
      %dma_start3A_409 = arith.constant 0 : i32
      %dma_start3A_410 = tpu.memref_slice %arg6[%dma_start3A_407, %dma_start3A_408, %dma_start3A_409] : memref<4x16x1024xf32, #tpu.memory_space<vmem>> -> memref<1x16x1024xf32, #tpu.memory_space<vmem>>
      %dma_start3A_411 = tpu.memref_squeeze %dma_start3A_410 : memref<1x16x1024xf32, #tpu.memory_space<vmem>> -> memref<16x1024xf32, #tpu.memory_space<vmem>>
      %dma_start3A_412 = arith.constant 0 : i32
      %dma_start3A_413 = tpu.memref_slice %arg4[%select_n3A, %multiple_of3A_406, %dma_start3A_412] : memref<4x8192x1024xf32, #tpu.memory_space<hbm>> -> memref<1x16x1024xf32, #tpu.memory_space<hbm>>
      %dma_start3A_414 = tpu.memref_squeeze %dma_start3A_413 : memref<1x16x1024xf32, #tpu.memory_space<hbm>> -> memref<16x1024xf32, #tpu.memory_space<hbm>>
      %dma_start3A_415 = arith.constant 0 : i32
      %dma_start3A_416 = tpu.memref_slice %arg4[%select_n3A, %multiple_of3A_406, %dma_start3A_415] : memref<4x8192x1024xf32, #tpu.memory_space<hbm>> -> memref<1x16x1024xf32, #tpu.memory_space<hbm>>
      %dma_start3A_417 = tpu.memref_squeeze %dma_start3A_416 : memref<1x16x1024xf32, #tpu.memory_space<hbm>> -> memref<16x1024xf32, #tpu.memory_space<hbm>>
      %dma_start3A_418 = arith.constant 0 : i32
      %dma_start3A_419 = arith.constant 0 : i32
      %dma_start3A_420 = tpu.memref_slice %arg6[%dma_start3A_407, %dma_start3A_418, %dma_start3A_419] : memref<4x16x1024xf32, #tpu.memory_space<vmem>> -> memref<1x16x1024xf32, #tpu.memory_space<vmem>>
      %dma_start3A_421 = tpu.memref_squeeze %dma_start3A_420 : memref<1x16x1024xf32, #tpu.memory_space<vmem>> -> memref<16x1024xf32, #tpu.memory_space<vmem>>
      tpu.enqueue_dma source(%dma_start3A_421 : memref<16x1024xf32, #tpu.memory_space<vmem>>) target(%dma_start3A_417 : memref<16x1024xf32, #tpu.memory_space<hbm>>) target_semaphore(%arg12 : memref<!tpu.dma_semaphore, #tpu.memory_space<semaphore_mem>>)
      %mul3A_422 = arith.constant 8 : i32
      %mul3A_423 = arith.muli %mul3A_422, %scan3A_212 : i32
      %add3A_424 = arith.constant 5 : i32
      %add3A_425 = arith.addi %mul3A_423, %add3A_424 : i32
      %add3A_426 = arith.constant 3 : i32
      %add3A_427 = arith.addi %add3A_425, %add3A_426 : i32
      %lt3A_428 = arith.constant 64 : i32
      %lt3A_429 = arith.cmpi slt, %add3A_427, %lt3A_428 : i32
      %convert_element_type3A_430 = arith.extui %lt3A_429 : i1 to i32
      %cond3A_431 = arith.constant 0 : i32
      %cond3A_432 = arith.cmpi ne, %convert_element_type3A_430, %cond3A_431 : i32
      scf.if %cond3A_432 {
        %ge3A_554 = arith.constant 4 : i32
        %ge3A_555 = arith.cmpi sge, %add3A_427, %ge3A_554 : i32
        %convert_element_type3A_556 = arith.extui %ge3A_555 : i1 to i32
        %cond3A_557 = arith.constant 0 : i32
        %cond3A_558 = arith.cmpi ne, %convert_element_type3A_556, %cond3A_557 : i32
        scf.if %cond3A_558 {
          %add3A_571 = arith.constant 0 : i32
          %add3A_572 = arith.addi %mul3A_32, %add3A_571 : i32
          %multiple_of3A_573 = tpu.assume_multiple %add3A_572, 16 : i32
          %dma_wait3A_574 = arith.constant 0 : i32
          %dma_wait3A_575 = arith.constant 0 : i32
          %dma_wait3A_576 = arith.constant 0 : i32
          %dma_wait3A_577 = tpu.memref_slice %arg6[%dma_wait3A_574, %dma_wait3A_575, %dma_wait3A_576] : memref<4x16x1024xf32, #tpu.memory_space<vmem>> -> memref<1x16x1024xf32, #tpu.memory_space<vmem>>
          %dma_wait3A_578 = tpu.memref_squeeze %dma_wait3A_577 : memref<1x16x1024xf32, #tpu.memory_space<vmem>> -> memref<16x1024xf32, #tpu.memory_space<vmem>>
          %dma_wait3A_579 = arith.constant 0 : i32
          %dma_wait3A_580 = tpu.memref_slice %arg4[%select_n3A, %multiple_of3A_573, %dma_wait3A_579] : memref<4x8192x1024xf32, #tpu.memory_space<hbm>> -> memref<1x16x1024xf32, #tpu.memory_space<hbm>>
          %dma_wait3A_581 = tpu.memref_squeeze %dma_wait3A_580 : memref<1x16x1024xf32, #tpu.memory_space<hbm>> -> memref<16x1024xf32, #tpu.memory_space<hbm>>
          %dma_wait3A_582 = arith.constant 0 : i32
          %dma_wait3A_583 = tpu.memref_slice %arg4[%select_n3A, %multiple_of3A_573, %dma_wait3A_582] : memref<4x8192x1024xf32, #tpu.memory_space<hbm>> -> memref<1x16x1024xf32, #tpu.memory_space<hbm>>
          %dma_wait3A_584 = tpu.memref_squeeze %dma_wait3A_583 : memref<1x16x1024xf32, #tpu.memory_space<hbm>> -> memref<16x1024xf32, #tpu.memory_space<hbm>>
          %dma_wait3A_585 = arith.constant 0 : i32
          %dma_wait3A_586 = arith.constant 0 : i32
          %dma_wait3A_587 = tpu.memref_slice %arg6[%dma_wait3A_574, %dma_wait3A_585, %dma_wait3A_586] : memref<4x16x1024xf32, #tpu.memory_space<vmem>> -> memref<1x16x1024xf32, #tpu.memory_space<vmem>>
          %dma_wait3A_588 = tpu.memref_squeeze %dma_wait3A_587 : memref<1x16x1024xf32, #tpu.memory_space<vmem>> -> memref<16x1024xf32, #tpu.memory_space<vmem>>
          tpu.wait_dma2 semaphore(%arg12 : memref<!tpu.dma_semaphore, #tpu.memory_space<semaphore_mem>>) src(%dma_wait3A_588 : memref<16x1024xf32, #tpu.memory_space<vmem>>) dst(%dma_wait3A_584 : memref<16x1024xf32, #tpu.memory_space<hbm>>)
        } else {
        }
        %mul3A_559 = arith.constant 16 : i32
        %mul3A_560 = arith.muli %add3A_427, %mul3A_559 : i32
        %multiple_of3A_561 = tpu.assume_multiple %mul3A_560, 16 : i32
        %dma_start3A_562 = arith.constant 0 : i32
        %dma_start3A_563 = arith.constant 0 : i32
        %dma_start3A_564 = arith.constant 0 : i32
        %dma_start3A_565 = tpu.memref_slice %arg6[%dma_start3A_562, %dma_start3A_563, %dma_start3A_564] : memref<4x16x1024xf32, #tpu.memory_space<vmem>> -> memref<1x16x1024xf32, #tpu.memory_space<vmem>>
        %dma_start3A_566 = tpu.memref_squeeze %dma_start3A_565 : memref<1x16x1024xf32, #tpu.memory_space<vmem>> -> memref<16x1024xf32, #tpu.memory_space<vmem>>
        %dma_start3A_567 = tpu.memref_slice %arg5[%multiple_of3A_561] : memref<1024xi32, #tpu.memory_space<vmem>> -> memref<16xi32, #tpu.memory_space<vmem>>
        %dma_start3A_568 = arith.constant 0 : i32
        %dma_start3A_569 = arith.constant 0 : i32
        %dma_start3A_570 = tpu.memref_slice %arg3[%dma_start3A_568, %dma_start3A_569] : memref<8192x1024xf32, #tpu.memory_space<hbm>> -> memref<8192x1024xf32, #tpu.memory_space<hbm>>
        tpu.enqueue_indirect_dma source(%dma_start3A_570 : memref<8192x1024xf32, #tpu.memory_space<hbm>>) target(%dma_start3A_566 : memref<16x1024xf32, #tpu.memory_space<vmem>>) offsets(%dma_start3A_567 : memref<16xi32, #tpu.memory_space<vmem>>) semaphore(%arg8 : memref<!tpu.dma_semaphore, #tpu.memory_space<semaphore_mem>>)
      } else {
      }
      %dma_wait3A_433 = arith.constant 1 : i32
      %dma_wait3A_434 = arith.constant 0 : i32
      %dma_wait3A_435 = arith.constant 0 : i32
      %dma_wait3A_436 = tpu.memref_slice %arg6[%dma_wait3A_433, %dma_wait3A_434, %dma_wait3A_435] : memref<4x16x1024xf32, #tpu.memory_space<vmem>> -> memref<1x16x1024xf32, #tpu.memory_space<vmem>>
      %dma_wait3A_437 = tpu.memref_squeeze %dma_wait3A_436 : memref<1x16x1024xf32, #tpu.memory_space<vmem>> -> memref<16x1024xf32, #tpu.memory_space<vmem>>
      %dma_wait3A_438 = arith.constant 0 : i32
      %dma_wait3A_439 = tpu.memref_slice %arg5[%dma_wait3A_438] : memref<1024xi32, #tpu.memory_space<vmem>> -> memref<16xi32, #tpu.memory_space<vmem>>
      %dma_wait3A_440 = arith.constant 0 : i32
      %dma_wait3A_441 = arith.constant 0 : i32
      %dma_wait3A_442 = tpu.memref_slice %arg3[%dma_wait3A_440, %dma_wait3A_441] : memref<8192x1024xf32, #tpu.memory_space<hbm>> -> memref<8192x1024xf32, #tpu.memory_space<hbm>>
      tpu.wait_indirect_dma semaphore(%arg9 : memref<!tpu.dma_semaphore, #tpu.memory_space<semaphore_mem>>) src(%dma_wait3A_442 : memref<8192x1024xf32, #tpu.memory_space<hbm>>) dst(%dma_wait3A_437 : memref<16x1024xf32, #tpu.memory_space<vmem>>)
      %ge3A_443 = arith.constant 5 : i32
      %ge3A_444 = arith.cmpi sge, %add3A_425, %ge3A_443 : i32
      %convert_element_type3A_445 = arith.extui %ge3A_444 : i1 to i32
      %cond3A_446 = arith.constant 0 : i32
      %cond3A_447 = arith.cmpi ne, %convert_element_type3A_445, %cond3A_446 : i32
      scf.if %cond3A_447 {
        %add3A_554 = arith.constant 0 : i32
        %add3A_555 = arith.addi %mul3A_32, %add3A_554 : i32
        %multiple_of3A_556 = tpu.assume_multiple %add3A_555, 16 : i32
        %dma_wait3A_557 = arith.constant 0 : i32
        %dma_wait3A_558 = arith.constant 0 : i32
        %dma_wait3A_559 = tpu.memref_slice %arg4[%select_n3A, %multiple_of3A_556, %dma_wait3A_558] : memref<4x8192x1024xf32, #tpu.memory_space<hbm>> -> memref<1x16x1024xf32, #tpu.memory_space<hbm>>
        %dma_wait3A_560 = tpu.memref_squeeze %dma_wait3A_559 : memref<1x16x1024xf32, #tpu.memory_space<hbm>> -> memref<16x1024xf32, #tpu.memory_space<hbm>>
        %dma_wait3A_561 = arith.constant 0 : i32
        %dma_wait3A_562 = arith.constant 0 : i32
        %dma_wait3A_563 = tpu.memref_slice %arg7[%arg1, %dma_wait3A_557, %dma_wait3A_561, %dma_wait3A_562] : memref<16x3x16x1024xf32, #tpu.memory_space<vmem_shared>> -> memref<1x1x16x1024xf32, #tpu.memory_space<vmem_shared>>
        %dma_wait3A_564 = tpu.memref_squeeze %dma_wait3A_563 : memref<1x1x16x1024xf32, #tpu.memory_space<vmem_shared>> -> memref<16x1024xf32, #tpu.memory_space<vmem_shared>>
        tpu.wait_dma2 semaphore(%arg16 : memref<!tpu.dma_semaphore, #tpu.memory_space<semaphore_mem>>) src(%dma_wait3A_564 : memref<16x1024xf32, #tpu.memory_space<vmem_shared>>) dst(%dma_wait3A_560 : memref<16x1024xf32, #tpu.memory_space<hbm>>)
      } else {
      }
      %dma_start3A_448 = arith.constant 1 : i32
      %dma_start3A_449 = arith.constant 0 : i32
      %dma_start3A_450 = arith.constant 0 : i32
      %dma_start3A_451 = arith.constant 0 : i32
      %dma_start3A_452 = tpu.memref_slice %arg6[%dma_start3A_448, %dma_start3A_450, %dma_start3A_451] : memref<4x16x1024xf32, #tpu.memory_space<vmem>> -> memref<1x16x1024xf32, #tpu.memory_space<vmem>>
      %dma_start3A_453 = tpu.memref_squeeze %dma_start3A_452 : memref<1x16x1024xf32, #tpu.memory_space<vmem>> -> memref<16x1024xf32, #tpu.memory_space<vmem>>
      %dma_start3A_454 = arith.constant 0 : i32
      %dma_start3A_455 = arith.constant 0 : i32
      %dma_start3A_456 = tpu.memref_slice %arg7[%arg1, %dma_start3A_449, %dma_start3A_454, %dma_start3A_455] : memref<16x3x16x1024xf32, #tpu.memory_space<vmem_shared>> -> memref<1x1x16x1024xf32, #tpu.memory_space<vmem_shared>>
      %dma_start3A_457 = tpu.memref_squeeze %dma_start3A_456 : memref<1x1x16x1024xf32, #tpu.memory_space<vmem_shared>> -> memref<16x1024xf32, #tpu.memory_space<vmem_shared>>
      %dma_start3A_458 = arith.constant 0 : i32
      %dma_start3A_459 = arith.constant 0 : i32
      %dma_start3A_460 = tpu.memref_slice %arg7[%arg1, %dma_start3A_449, %dma_start3A_458, %dma_start3A_459] : memref<16x3x16x1024xf32, #tpu.memory_space<vmem_shared>> -> memref<1x1x16x1024xf32, #tpu.memory_space<vmem_shared>>
      %dma_start3A_461 = tpu.memref_squeeze %dma_start3A_460 : memref<1x1x16x1024xf32, #tpu.memory_space<vmem_shared>> -> memref<16x1024xf32, #tpu.memory_space<vmem_shared>>
      %dma_start3A_462 = arith.constant 0 : i32
      %dma_start3A_463 = arith.constant 0 : i32
      %dma_start3A_464 = tpu.memref_slice %arg6[%dma_start3A_448, %dma_start3A_462, %dma_start3A_463] : memref<4x16x1024xf32, #tpu.memory_space<vmem>> -> memref<1x16x1024xf32, #tpu.memory_space<vmem>>
      %dma_start3A_465 = tpu.memref_squeeze %dma_start3A_464 : memref<1x16x1024xf32, #tpu.memory_space<vmem>> -> memref<16x1024xf32, #tpu.memory_space<vmem>>
      tpu.enqueue_dma source(%dma_start3A_465 : memref<16x1024xf32, #tpu.memory_space<vmem>>) target(%dma_start3A_461 : memref<16x1024xf32, #tpu.memory_space<vmem_shared>>) target_semaphore(%arg13 : memref<!tpu.dma_semaphore, #tpu.memory_space<semaphore_mem>>)
      %mul3A_466 = arith.constant 8 : i32
      %mul3A_467 = arith.muli %mul3A_466, %scan3A_212 : i32
      %add3A_468 = arith.constant 6 : i32
      %add3A_469 = arith.addi %mul3A_467, %add3A_468 : i32
      %add3A_470 = arith.constant 3 : i32
      %add3A_471 = arith.addi %add3A_469, %add3A_470 : i32
      %lt3A_472 = arith.constant 64 : i32
      %lt3A_473 = arith.cmpi slt, %add3A_471, %lt3A_472 : i32
      %convert_element_type3A_474 = arith.extui %lt3A_473 : i1 to i32
      %cond3A_475 = arith.constant 0 : i32
      %cond3A_476 = arith.cmpi ne, %convert_element_type3A_474, %cond3A_475 : i32
      scf.if %cond3A_476 {
        %ge3A_554 = arith.constant 4 : i32
        %ge3A_555 = arith.cmpi sge, %add3A_471, %ge3A_554 : i32
        %convert_element_type3A_556 = arith.extui %ge3A_555 : i1 to i32
        %cond3A_557 = arith.constant 0 : i32
        %cond3A_558 = arith.cmpi ne, %convert_element_type3A_556, %cond3A_557 : i32
        scf.if %cond3A_558 {
          %dma_wait3A_571 = arith.constant 1 : i32
          %dma_wait3A_572 = arith.constant 0 : i32
          %dma_wait3A_573 = arith.constant 0 : i32
          %dma_wait3A_574 = arith.constant 0 : i32
          %dma_wait3A_575 = tpu.memref_slice %arg6[%dma_wait3A_571, %dma_wait3A_573, %dma_wait3A_574] : memref<4x16x1024xf32, #tpu.memory_space<vmem>> -> memref<1x16x1024xf32, #tpu.memory_space<vmem>>
          %dma_wait3A_576 = tpu.memref_squeeze %dma_wait3A_575 : memref<1x16x1024xf32, #tpu.memory_space<vmem>> -> memref<16x1024xf32, #tpu.memory_space<vmem>>
          %dma_wait3A_577 = arith.constant 0 : i32
          %dma_wait3A_578 = arith.constant 0 : i32
          %dma_wait3A_579 = tpu.memref_slice %arg7[%arg1, %dma_wait3A_572, %dma_wait3A_577, %dma_wait3A_578] : memref<16x3x16x1024xf32, #tpu.memory_space<vmem_shared>> -> memref<1x1x16x1024xf32, #tpu.memory_space<vmem_shared>>
          %dma_wait3A_580 = tpu.memref_squeeze %dma_wait3A_579 : memref<1x1x16x1024xf32, #tpu.memory_space<vmem_shared>> -> memref<16x1024xf32, #tpu.memory_space<vmem_shared>>
          %dma_wait3A_581 = arith.constant 0 : i32
          %dma_wait3A_582 = arith.constant 0 : i32
          %dma_wait3A_583 = tpu.memref_slice %arg7[%arg1, %dma_wait3A_572, %dma_wait3A_581, %dma_wait3A_582] : memref<16x3x16x1024xf32, #tpu.memory_space<vmem_shared>> -> memref<1x1x16x1024xf32, #tpu.memory_space<vmem_shared>>
          %dma_wait3A_584 = tpu.memref_squeeze %dma_wait3A_583 : memref<1x1x16x1024xf32, #tpu.memory_space<vmem_shared>> -> memref<16x1024xf32, #tpu.memory_space<vmem_shared>>
          %dma_wait3A_585 = arith.constant 0 : i32
          %dma_wait3A_586 = arith.constant 0 : i32
          %dma_wait3A_587 = tpu.memref_slice %arg6[%dma_wait3A_571, %dma_wait3A_585, %dma_wait3A_586] : memref<4x16x1024xf32, #tpu.memory_space<vmem>> -> memref<1x16x1024xf32, #tpu.memory_space<vmem>>
          %dma_wait3A_588 = tpu.memref_squeeze %dma_wait3A_587 : memref<1x16x1024xf32, #tpu.memory_space<vmem>> -> memref<16x1024xf32, #tpu.memory_space<vmem>>
          tpu.wait_dma2 semaphore(%arg13 : memref<!tpu.dma_semaphore, #tpu.memory_space<semaphore_mem>>) src(%dma_wait3A_588 : memref<16x1024xf32, #tpu.memory_space<vmem>>) dst(%dma_wait3A_584 : memref<16x1024xf32, #tpu.memory_space<vmem_shared>>)
          %sub3A_589 = arith.constant 4 : i32
          %sub3A_590 = arith.subi %add3A_471, %sub3A_589 : i32
          %mul3A_591 = arith.constant 16 : i32
          %mul3A_592 = arith.muli %sub3A_590, %mul3A_591 : i32
          %add3A_593 = arith.addi %mul3A_32, %mul3A_592 : i32
          %multiple_of3A_594 = tpu.assume_multiple %add3A_593, 16 : i32
          %dma_start3A_595 = arith.constant 0 : i32
          %dma_start3A_596 = arith.constant 0 : i32
          %dma_start3A_597 = tpu.memref_slice %arg4[%select_n3A, %multiple_of3A_594, %dma_start3A_596] : memref<4x8192x1024xf32, #tpu.memory_space<hbm>> -> memref<1x16x1024xf32, #tpu.memory_space<hbm>>
          %dma_start3A_598 = tpu.memref_squeeze %dma_start3A_597 : memref<1x16x1024xf32, #tpu.memory_space<hbm>> -> memref<16x1024xf32, #tpu.memory_space<hbm>>
          %dma_start3A_599 = arith.constant 0 : i32
          %dma_start3A_600 = arith.constant 0 : i32
          %dma_start3A_601 = tpu.memref_slice %arg7[%arg1, %dma_start3A_595, %dma_start3A_599, %dma_start3A_600] : memref<16x3x16x1024xf32, #tpu.memory_space<vmem_shared>> -> memref<1x1x16x1024xf32, #tpu.memory_space<vmem_shared>>
          %dma_start3A_602 = tpu.memref_squeeze %dma_start3A_601 : memref<1x1x16x1024xf32, #tpu.memory_space<vmem_shared>> -> memref<16x1024xf32, #tpu.memory_space<vmem_shared>>
          tpu.enqueue_dma source(%dma_start3A_602 : memref<16x1024xf32, #tpu.memory_space<vmem_shared>>) target(%dma_start3A_598 : memref<16x1024xf32, #tpu.memory_space<hbm>>) target_semaphore(%arg16 : memref<!tpu.dma_semaphore, #tpu.memory_space<semaphore_mem>>)
        } else {
        }
        %mul3A_559 = arith.constant 16 : i32
        %mul3A_560 = arith.muli %add3A_471, %mul3A_559 : i32
        %multiple_of3A_561 = tpu.assume_multiple %mul3A_560, 16 : i32
        %dma_start3A_562 = arith.constant 1 : i32
        %dma_start3A_563 = arith.constant 0 : i32
        %dma_start3A_564 = arith.constant 0 : i32
        %dma_start3A_565 = tpu.memref_slice %arg6[%dma_start3A_562, %dma_start3A_563, %dma_start3A_564] : memref<4x16x1024xf32, #tpu.memory_space<vmem>> -> memref<1x16x1024xf32, #tpu.memory_space<vmem>>
        %dma_start3A_566 = tpu.memref_squeeze %dma_start3A_565 : memref<1x16x1024xf32, #tpu.memory_space<vmem>> -> memref<16x1024xf32, #tpu.memory_space<vmem>>
        %dma_start3A_567 = tpu.memref_slice %arg5[%multiple_of3A_561] : memref<1024xi32, #tpu.memory_space<vmem>> -> memref<16xi32, #tpu.memory_space<vmem>>
        %dma_start3A_568 = arith.constant 0 : i32
        %dma_start3A_569 = arith.constant 0 : i32
        %dma_start3A_570 = tpu.memref_slice %arg3[%dma_start3A_568, %dma_start3A_569] : memref<8192x1024xf32, #tpu.memory_space<hbm>> -> memref<8192x1024xf32, #tpu.memory_space<hbm>>
        tpu.enqueue_indirect_dma source(%dma_start3A_570 : memref<8192x1024xf32, #tpu.memory_space<hbm>>) target(%dma_start3A_566 : memref<16x1024xf32, #tpu.memory_space<vmem>>) offsets(%dma_start3A_567 : memref<16xi32, #tpu.memory_space<vmem>>) semaphore(%arg9 : memref<!tpu.dma_semaphore, #tpu.memory_space<semaphore_mem>>)
      } else {
      }
      %dma_wait3A_477 = arith.constant 2 : i32
      %dma_wait3A_478 = arith.constant 0 : i32
      %dma_wait3A_479 = arith.constant 0 : i32
      %dma_wait3A_480 = tpu.memref_slice %arg6[%dma_wait3A_477, %dma_wait3A_478, %dma_wait3A_479] : memref<4x16x1024xf32, #tpu.memory_space<vmem>> -> memref<1x16x1024xf32, #tpu.memory_space<vmem>>
      %dma_wait3A_481 = tpu.memref_squeeze %dma_wait3A_480 : memref<1x16x1024xf32, #tpu.memory_space<vmem>> -> memref<16x1024xf32, #tpu.memory_space<vmem>>
      %dma_wait3A_482 = arith.constant 0 : i32
      %dma_wait3A_483 = tpu.memref_slice %arg5[%dma_wait3A_482] : memref<1024xi32, #tpu.memory_space<vmem>> -> memref<16xi32, #tpu.memory_space<vmem>>
      %dma_wait3A_484 = arith.constant 0 : i32
      %dma_wait3A_485 = arith.constant 0 : i32
      %dma_wait3A_486 = tpu.memref_slice %arg3[%dma_wait3A_484, %dma_wait3A_485] : memref<8192x1024xf32, #tpu.memory_space<hbm>> -> memref<8192x1024xf32, #tpu.memory_space<hbm>>
      tpu.wait_indirect_dma semaphore(%arg10 : memref<!tpu.dma_semaphore, #tpu.memory_space<semaphore_mem>>) src(%dma_wait3A_486 : memref<8192x1024xf32, #tpu.memory_space<hbm>>) dst(%dma_wait3A_481 : memref<16x1024xf32, #tpu.memory_space<vmem>>)
      %ge3A_487 = arith.constant 5 : i32
      %ge3A_488 = arith.cmpi sge, %add3A_469, %ge3A_487 : i32
      %convert_element_type3A_489 = arith.extui %ge3A_488 : i1 to i32
      %cond3A_490 = arith.constant 0 : i32
      %cond3A_491 = arith.cmpi ne, %convert_element_type3A_489, %cond3A_490 : i32
      scf.if %cond3A_491 {
        %add3A_554 = arith.constant 0 : i32
        %add3A_555 = arith.addi %mul3A_32, %add3A_554 : i32
        %multiple_of3A_556 = tpu.assume_multiple %add3A_555, 16 : i32
        %dma_wait3A_557 = arith.constant 1 : i32
        %dma_wait3A_558 = arith.constant 0 : i32
        %dma_wait3A_559 = tpu.memref_slice %arg4[%select_n3A, %multiple_of3A_556, %dma_wait3A_558] : memref<4x8192x1024xf32, #tpu.memory_space<hbm>> -> memref<1x16x1024xf32, #tpu.memory_space<hbm>>
        %dma_wait3A_560 = tpu.memref_squeeze %dma_wait3A_559 : memref<1x16x1024xf32, #tpu.memory_space<hbm>> -> memref<16x1024xf32, #tpu.memory_space<hbm>>
        %dma_wait3A_561 = arith.constant 0 : i32
        %dma_wait3A_562 = arith.constant 0 : i32
        %dma_wait3A_563 = tpu.memref_slice %arg7[%arg1, %dma_wait3A_557, %dma_wait3A_561, %dma_wait3A_562] : memref<16x3x16x1024xf32, #tpu.memory_space<vmem_shared>> -> memref<1x1x16x1024xf32, #tpu.memory_space<vmem_shared>>
        %dma_wait3A_564 = tpu.memref_squeeze %dma_wait3A_563 : memref<1x1x16x1024xf32, #tpu.memory_space<vmem_shared>> -> memref<16x1024xf32, #tpu.memory_space<vmem_shared>>
        tpu.wait_dma2 semaphore(%arg17 : memref<!tpu.dma_semaphore, #tpu.memory_space<semaphore_mem>>) src(%dma_wait3A_564 : memref<16x1024xf32, #tpu.memory_space<vmem_shared>>) dst(%dma_wait3A_560 : memref<16x1024xf32, #tpu.memory_space<hbm>>)
      } else {
      }
      %dma_start3A_492 = arith.constant 2 : i32
      %dma_start3A_493 = arith.constant 1 : i32
      %dma_start3A_494 = arith.constant 0 : i32
      %dma_start3A_495 = arith.constant 0 : i32
      %dma_start3A_496 = tpu.memref_slice %arg6[%dma_start3A_492, %dma_start3A_494, %dma_start3A_495] : memref<4x16x1024xf32, #tpu.memory_space<vmem>> -> memref<1x16x1024xf32, #tpu.memory_space<vmem>>
      %dma_start3A_497 = tpu.memref_squeeze %dma_start3A_496 : memref<1x16x1024xf32, #tpu.memory_space<vmem>> -> memref<16x1024xf32, #tpu.memory_space<vmem>>
      %dma_start3A_498 = arith.constant 0 : i32
      %dma_start3A_499 = arith.constant 0 : i32
      %dma_start3A_500 = tpu.memref_slice %arg7[%arg1, %dma_start3A_493, %dma_start3A_498, %dma_start3A_499] : memref<16x3x16x1024xf32, #tpu.memory_space<vmem_shared>> -> memref<1x1x16x1024xf32, #tpu.memory_space<vmem_shared>>
      %dma_start3A_501 = tpu.memref_squeeze %dma_start3A_500 : memref<1x1x16x1024xf32, #tpu.memory_space<vmem_shared>> -> memref<16x1024xf32, #tpu.memory_space<vmem_shared>>
      %dma_start3A_502 = arith.constant 0 : i32
      %dma_start3A_503 = arith.constant 0 : i32
      %dma_start3A_504 = tpu.memref_slice %arg7[%arg1, %dma_start3A_493, %dma_start3A_502, %dma_start3A_503] : memref<16x3x16x1024xf32, #tpu.memory_space<vmem_shared>> -> memref<1x1x16x1024xf32, #tpu.memory_space<vmem_shared>>
      %dma_start3A_505 = tpu.memref_squeeze %dma_start3A_504 : memref<1x1x16x1024xf32, #tpu.memory_space<vmem_shared>> -> memref<16x1024xf32, #tpu.memory_space<vmem_shared>>
      %dma_start3A_506 = arith.constant 0 : i32
      %dma_start3A_507 = arith.constant 0 : i32
      %dma_start3A_508 = tpu.memref_slice %arg6[%dma_start3A_492, %dma_start3A_506, %dma_start3A_507] : memref<4x16x1024xf32, #tpu.memory_space<vmem>> -> memref<1x16x1024xf32, #tpu.memory_space<vmem>>
      %dma_start3A_509 = tpu.memref_squeeze %dma_start3A_508 : memref<1x16x1024xf32, #tpu.memory_space<vmem>> -> memref<16x1024xf32, #tpu.memory_space<vmem>>
      tpu.enqueue_dma source(%dma_start3A_509 : memref<16x1024xf32, #tpu.memory_space<vmem>>) target(%dma_start3A_505 : memref<16x1024xf32, #tpu.memory_space<vmem_shared>>) target_semaphore(%arg14 : memref<!tpu.dma_semaphore, #tpu.memory_space<semaphore_mem>>)
      %mul3A_510 = arith.constant 8 : i32
      %mul3A_511 = arith.muli %mul3A_510, %scan3A_212 : i32
      %add3A_512 = arith.constant 7 : i32
      %add3A_513 = arith.addi %mul3A_511, %add3A_512 : i32
      %add3A_514 = arith.constant 3 : i32
      %add3A_515 = arith.addi %add3A_513, %add3A_514 : i32
      %lt3A_516 = arith.constant 64 : i32
      %lt3A_517 = arith.cmpi slt, %add3A_515, %lt3A_516 : i32
      %convert_element_type3A_518 = arith.extui %lt3A_517 : i1 to i32
      %cond3A_519 = arith.constant 0 : i32
      %cond3A_520 = arith.cmpi ne, %convert_element_type3A_518, %cond3A_519 : i32
      scf.if %cond3A_520 {
        %ge3A_554 = arith.constant 4 : i32
        %ge3A_555 = arith.cmpi sge, %add3A_515, %ge3A_554 : i32
        %convert_element_type3A_556 = arith.extui %ge3A_555 : i1 to i32
        %cond3A_557 = arith.constant 0 : i32
        %cond3A_558 = arith.cmpi ne, %convert_element_type3A_556, %cond3A_557 : i32
        scf.if %cond3A_558 {
          %dma_wait3A_571 = arith.constant 2 : i32
          %dma_wait3A_572 = arith.constant 0 : i32
          %dma_wait3A_573 = arith.constant 0 : i32
          %dma_wait3A_574 = arith.constant 0 : i32
          %dma_wait3A_575 = tpu.memref_slice %arg6[%dma_wait3A_571, %dma_wait3A_573, %dma_wait3A_574] : memref<4x16x1024xf32, #tpu.memory_space<vmem>> -> memref<1x16x1024xf32, #tpu.memory_space<vmem>>
          %dma_wait3A_576 = tpu.memref_squeeze %dma_wait3A_575 : memref<1x16x1024xf32, #tpu.memory_space<vmem>> -> memref<16x1024xf32, #tpu.memory_space<vmem>>
          %dma_wait3A_577 = arith.constant 0 : i32
          %dma_wait3A_578 = arith.constant 0 : i32
          %dma_wait3A_579 = tpu.memref_slice %arg7[%arg1, %dma_wait3A_572, %dma_wait3A_577, %dma_wait3A_578] : memref<16x3x16x1024xf32, #tpu.memory_space<vmem_shared>> -> memref<1x1x16x1024xf32, #tpu.memory_space<vmem_shared>>
          %dma_wait3A_580 = tpu.memref_squeeze %dma_wait3A_579 : memref<1x1x16x1024xf32, #tpu.memory_space<vmem_shared>> -> memref<16x1024xf32, #tpu.memory_space<vmem_shared>>
          %dma_wait3A_581 = arith.constant 0 : i32
          %dma_wait3A_582 = arith.constant 0 : i32
          %dma_wait3A_583 = tpu.memref_slice %arg7[%arg1, %dma_wait3A_572, %dma_wait3A_581, %dma_wait3A_582] : memref<16x3x16x1024xf32, #tpu.memory_space<vmem_shared>> -> memref<1x1x16x1024xf32, #tpu.memory_space<vmem_shared>>
          %dma_wait3A_584 = tpu.memref_squeeze %dma_wait3A_583 : memref<1x1x16x1024xf32, #tpu.memory_space<vmem_shared>> -> memref<16x1024xf32, #tpu.memory_space<vmem_shared>>
          %dma_wait3A_585 = arith.constant 0 : i32
          %dma_wait3A_586 = arith.constant 0 : i32
          %dma_wait3A_587 = tpu.memref_slice %arg6[%dma_wait3A_571, %dma_wait3A_585, %dma_wait3A_586] : memref<4x16x1024xf32, #tpu.memory_space<vmem>> -> memref<1x16x1024xf32, #tpu.memory_space<vmem>>
          %dma_wait3A_588 = tpu.memref_squeeze %dma_wait3A_587 : memref<1x16x1024xf32, #tpu.memory_space<vmem>> -> memref<16x1024xf32, #tpu.memory_space<vmem>>
          tpu.wait_dma2 semaphore(%arg14 : memref<!tpu.dma_semaphore, #tpu.memory_space<semaphore_mem>>) src(%dma_wait3A_588 : memref<16x1024xf32, #tpu.memory_space<vmem>>) dst(%dma_wait3A_584 : memref<16x1024xf32, #tpu.memory_space<vmem_shared>>)
          %sub3A_589 = arith.constant 4 : i32
          %sub3A_590 = arith.subi %add3A_515, %sub3A_589 : i32
          %mul3A_591 = arith.constant 16 : i32
          %mul3A_592 = arith.muli %sub3A_590, %mul3A_591 : i32
          %add3A_593 = arith.addi %mul3A_32, %mul3A_592 : i32
          %multiple_of3A_594 = tpu.assume_multiple %add3A_593, 16 : i32
          %dma_start3A_595 = arith.constant 1 : i32
          %dma_start3A_596 = arith.constant 0 : i32
          %dma_start3A_597 = tpu.memref_slice %arg4[%select_n3A, %multiple_of3A_594, %dma_start3A_596] : memref<4x8192x1024xf32, #tpu.memory_space<hbm>> -> memref<1x16x1024xf32, #tpu.memory_space<hbm>>
          %dma_start3A_598 = tpu.memref_squeeze %dma_start3A_597 : memref<1x16x1024xf32, #tpu.memory_space<hbm>> -> memref<16x1024xf32, #tpu.memory_space<hbm>>
          %dma_start3A_599 = arith.constant 0 : i32
          %dma_start3A_600 = arith.constant 0 : i32
          %dma_start3A_601 = tpu.memref_slice %arg7[%arg1, %dma_start3A_595, %dma_start3A_599, %dma_start3A_600] : memref<16x3x16x1024xf32, #tpu.memory_space<vmem_shared>> -> memref<1x1x16x1024xf32, #tpu.memory_space<vmem_shared>>
          %dma_start3A_602 = tpu.memref_squeeze %dma_start3A_601 : memref<1x1x16x1024xf32, #tpu.memory_space<vmem_shared>> -> memref<16x1024xf32, #tpu.memory_space<vmem_shared>>
          tpu.enqueue_dma source(%dma_start3A_602 : memref<16x1024xf32, #tpu.memory_space<vmem_shared>>) target(%dma_start3A_598 : memref<16x1024xf32, #tpu.memory_space<hbm>>) target_semaphore(%arg17 : memref<!tpu.dma_semaphore, #tpu.memory_space<semaphore_mem>>)
        } else {
        }
        %mul3A_559 = arith.constant 16 : i32
        %mul3A_560 = arith.muli %add3A_515, %mul3A_559 : i32
        %multiple_of3A_561 = tpu.assume_multiple %mul3A_560, 16 : i32
        %dma_start3A_562 = arith.constant 2 : i32
        %dma_start3A_563 = arith.constant 0 : i32
        %dma_start3A_564 = arith.constant 0 : i32
        %dma_start3A_565 = tpu.memref_slice %arg6[%dma_start3A_562, %dma_start3A_563, %dma_start3A_564] : memref<4x16x1024xf32, #tpu.memory_space<vmem>> -> memref<1x16x1024xf32, #tpu.memory_space<vmem>>
        %dma_start3A_566 = tpu.memref_squeeze %dma_start3A_565 : memref<1x16x1024xf32, #tpu.memory_space<vmem>> -> memref<16x1024xf32, #tpu.memory_space<vmem>>
        %dma_start3A_567 = tpu.memref_slice %arg5[%multiple_of3A_561] : memref<1024xi32, #tpu.memory_space<vmem>> -> memref<16xi32, #tpu.memory_space<vmem>>
        %dma_start3A_568 = arith.constant 0 : i32
        %dma_start3A_569 = arith.constant 0 : i32
        %dma_start3A_570 = tpu.memref_slice %arg3[%dma_start3A_568, %dma_start3A_569] : memref<8192x1024xf32, #tpu.memory_space<hbm>> -> memref<8192x1024xf32, #tpu.memory_space<hbm>>
        tpu.enqueue_indirect_dma source(%dma_start3A_570 : memref<8192x1024xf32, #tpu.memory_space<hbm>>) target(%dma_start3A_566 : memref<16x1024xf32, #tpu.memory_space<vmem>>) offsets(%dma_start3A_567 : memref<16xi32, #tpu.memory_space<vmem>>) semaphore(%arg10 : memref<!tpu.dma_semaphore, #tpu.memory_space<semaphore_mem>>)
      } else {
      }
      %dma_wait3A_521 = arith.constant 3 : i32
      %dma_wait3A_522 = arith.constant 0 : i32
      %dma_wait3A_523 = arith.constant 0 : i32
      %dma_wait3A_524 = tpu.memref_slice %arg6[%dma_wait3A_521, %dma_wait3A_522, %dma_wait3A_523] : memref<4x16x1024xf32, #tpu.memory_space<vmem>> -> memref<1x16x1024xf32, #tpu.memory_space<vmem>>
      %dma_wait3A_525 = tpu.memref_squeeze %dma_wait3A_524 : memref<1x16x1024xf32, #tpu.memory_space<vmem>> -> memref<16x1024xf32, #tpu.memory_space<vmem>>
      %dma_wait3A_526 = arith.constant 0 : i32
      %dma_wait3A_527 = tpu.memref_slice %arg5[%dma_wait3A_526] : memref<1024xi32, #tpu.memory_space<vmem>> -> memref<16xi32, #tpu.memory_space<vmem>>
      %dma_wait3A_528 = arith.constant 0 : i32
      %dma_wait3A_529 = arith.constant 0 : i32
      %dma_wait3A_530 = tpu.memref_slice %arg3[%dma_wait3A_528, %dma_wait3A_529] : memref<8192x1024xf32, #tpu.memory_space<hbm>> -> memref<8192x1024xf32, #tpu.memory_space<hbm>>
      tpu.wait_indirect_dma semaphore(%arg11 : memref<!tpu.dma_semaphore, #tpu.memory_space<semaphore_mem>>) src(%dma_wait3A_530 : memref<8192x1024xf32, #tpu.memory_space<hbm>>) dst(%dma_wait3A_525 : memref<16x1024xf32, #tpu.memory_space<vmem>>)
      %ge3A_531 = arith.constant 5 : i32
      %ge3A_532 = arith.cmpi sge, %add3A_513, %ge3A_531 : i32
      %convert_element_type3A_533 = arith.extui %ge3A_532 : i1 to i32
      %cond3A_534 = arith.constant 0 : i32
      %cond3A_535 = arith.cmpi ne, %convert_element_type3A_533, %cond3A_534 : i32
      scf.if %cond3A_535 {
        %add3A_554 = arith.constant 0 : i32
        %add3A_555 = arith.addi %mul3A_32, %add3A_554 : i32
        %multiple_of3A_556 = tpu.assume_multiple %add3A_555, 16 : i32
        %dma_wait3A_557 = arith.constant 2 : i32
        %dma_wait3A_558 = arith.constant 0 : i32
        %dma_wait3A_559 = tpu.memref_slice %arg4[%select_n3A, %multiple_of3A_556, %dma_wait3A_558] : memref<4x8192x1024xf32, #tpu.memory_space<hbm>> -> memref<1x16x1024xf32, #tpu.memory_space<hbm>>
        %dma_wait3A_560 = tpu.memref_squeeze %dma_wait3A_559 : memref<1x16x1024xf32, #tpu.memory_space<hbm>> -> memref<16x1024xf32, #tpu.memory_space<hbm>>
        %dma_wait3A_561 = arith.constant 0 : i32
        %dma_wait3A_562 = arith.constant 0 : i32
        %dma_wait3A_563 = tpu.memref_slice %arg7[%arg1, %dma_wait3A_557, %dma_wait3A_561, %dma_wait3A_562] : memref<16x3x16x1024xf32, #tpu.memory_space<vmem_shared>> -> memref<1x1x16x1024xf32, #tpu.memory_space<vmem_shared>>
        %dma_wait3A_564 = tpu.memref_squeeze %dma_wait3A_563 : memref<1x1x16x1024xf32, #tpu.memory_space<vmem_shared>> -> memref<16x1024xf32, #tpu.memory_space<vmem_shared>>
        tpu.wait_dma2 semaphore(%arg18 : memref<!tpu.dma_semaphore, #tpu.memory_space<semaphore_mem>>) src(%dma_wait3A_564 : memref<16x1024xf32, #tpu.memory_space<vmem_shared>>) dst(%dma_wait3A_560 : memref<16x1024xf32, #tpu.memory_space<hbm>>)
      } else {
      }
      %dma_start3A_536 = arith.constant 3 : i32
      %dma_start3A_537 = arith.constant 2 : i32
      %dma_start3A_538 = arith.constant 0 : i32
      %dma_start3A_539 = arith.constant 0 : i32
      %dma_start3A_540 = tpu.memref_slice %arg6[%dma_start3A_536, %dma_start3A_538, %dma_start3A_539] : memref<4x16x1024xf32, #tpu.memory_space<vmem>> -> memref<1x16x1024xf32, #tpu.memory_space<vmem>>
      %dma_start3A_541 = tpu.memref_squeeze %dma_start3A_540 : memref<1x16x1024xf32, #tpu.memory_space<vmem>> -> memref<16x1024xf32, #tpu.memory_space<vmem>>
      %dma_start3A_542 = arith.constant 0 : i32
      %dma_start3A_543 = arith.constant 0 : i32
      %dma_start3A_544 = tpu.memref_slice %arg7[%arg1, %dma_start3A_537, %dma_start3A_542, %dma_start3A_543] : memref<16x3x16x1024xf32, #tpu.memory_space<vmem_shared>> -> memref<1x1x16x1024xf32, #tpu.memory_space<vmem_shared>>
      %dma_start3A_545 = tpu.memref_squeeze %dma_start3A_544 : memref<1x1x16x1024xf32, #tpu.memory_space<vmem_shared>> -> memref<16x1024xf32, #tpu.memory_space<vmem_shared>>
      %dma_start3A_546 = arith.constant 0 : i32
      %dma_start3A_547 = arith.constant 0 : i32
      %dma_start3A_548 = tpu.memref_slice %arg7[%arg1, %dma_start3A_537, %dma_start3A_546, %dma_start3A_547] : memref<16x3x16x1024xf32, #tpu.memory_space<vmem_shared>> -> memref<1x1x16x1024xf32, #tpu.memory_space<vmem_shared>>
      %dma_start3A_549 = tpu.memref_squeeze %dma_start3A_548 : memref<1x1x16x1024xf32, #tpu.memory_space<vmem_shared>> -> memref<16x1024xf32, #tpu.memory_space<vmem_shared>>
      %dma_start3A_550 = arith.constant 0 : i32
      %dma_start3A_551 = arith.constant 0 : i32
      %dma_start3A_552 = tpu.memref_slice %arg6[%dma_start3A_536, %dma_start3A_550, %dma_start3A_551] : memref<4x16x1024xf32, #tpu.memory_space<vmem>> -> memref<1x16x1024xf32, #tpu.memory_space<vmem>>
      %dma_start3A_553 = tpu.memref_squeeze %dma_start3A_552 : memref<1x16x1024xf32, #tpu.memory_space<vmem>> -> memref<16x1024xf32, #tpu.memory_space<vmem>>
      tpu.enqueue_dma source(%dma_start3A_553 : memref<16x1024xf32, #tpu.memory_space<vmem>>) target(%dma_start3A_549 : memref<16x1024xf32, #tpu.memory_space<vmem_shared>>) target_semaphore(%arg15 : memref<!tpu.dma_semaphore, #tpu.memory_space<semaphore_mem>>)
    }
    %scan3A_74 = arith.constant 8 : i32
    %dma_wait3A = arith.constant 1 : i32
    %dma_wait3A_75 = arith.constant 0 : i32
    %dma_wait3A_76 = arith.constant 0 : i32
    %dma_wait3A_77 = arith.constant 0 : i32
    %dma_wait3A_78 = tpu.memref_slice %arg6[%dma_wait3A, %dma_wait3A_76, %dma_wait3A_77] : memref<4x16x1024xf32, #tpu.memory_space<vmem>> -> memref<1x16x1024xf32, #tpu.memory_space<vmem>>
    %dma_wait3A_79 = tpu.memref_squeeze %dma_wait3A_78 : memref<1x16x1024xf32, #tpu.memory_space<vmem>> -> memref<16x1024xf32, #tpu.memory_space<vmem>>
    %dma_wait3A_80 = arith.constant 0 : i32
    %dma_wait3A_81 = arith.constant 0 : i32
    %dma_wait3A_82 = tpu.memref_slice %arg7[%arg1, %dma_wait3A_75, %dma_wait3A_80, %dma_wait3A_81] : memref<16x3x16x1024xf32, #tpu.memory_space<vmem_shared>> -> memref<1x1x16x1024xf32, #tpu.memory_space<vmem_shared>>
    %dma_wait3A_83 = tpu.memref_squeeze %dma_wait3A_82 : memref<1x1x16x1024xf32, #tpu.memory_space<vmem_shared>> -> memref<16x1024xf32, #tpu.memory_space<vmem_shared>>
    %dma_wait3A_84 = arith.constant 0 : i32
    %dma_wait3A_85 = arith.constant 0 : i32
    %dma_wait3A_86 = tpu.memref_slice %arg7[%arg1, %dma_wait3A_75, %dma_wait3A_84, %dma_wait3A_85] : memref<16x3x16x1024xf32, #tpu.memory_space<vmem_shared>> -> memref<1x1x16x1024xf32, #tpu.memory_space<vmem_shared>>
    %dma_wait3A_87 = tpu.memref_squeeze %dma_wait3A_86 : memref<1x1x16x1024xf32, #tpu.memory_space<vmem_shared>> -> memref<16x1024xf32, #tpu.memory_space<vmem_shared>>
    %dma_wait3A_88 = arith.constant 0 : i32
    %dma_wait3A_89 = arith.constant 0 : i32
    %dma_wait3A_90 = tpu.memref_slice %arg6[%dma_wait3A, %dma_wait3A_88, %dma_wait3A_89] : memref<4x16x1024xf32, #tpu.memory_space<vmem>> -> memref<1x16x1024xf32, #tpu.memory_space<vmem>>
    %dma_wait3A_91 = tpu.memref_squeeze %dma_wait3A_90 : memref<1x16x1024xf32, #tpu.memory_space<vmem>> -> memref<16x1024xf32, #tpu.memory_space<vmem>>
    tpu.wait_dma2 semaphore(%arg13 : memref<!tpu.dma_semaphore, #tpu.memory_space<semaphore_mem>>) src(%dma_wait3A_91 : memref<16x1024xf32, #tpu.memory_space<vmem>>) dst(%dma_wait3A_87 : memref<16x1024xf32, #tpu.memory_space<vmem_shared>>)
    %add3A_92 = arith.constant 976 : i32
    %add3A_93 = arith.addi %mul3A_32, %add3A_92 : i32
    %multiple_of3A_94 = tpu.assume_multiple %add3A_93, 16 : i32
    %dma_start3A_95 = arith.constant 0 : i32
    %dma_start3A_96 = arith.constant 0 : i32
    %dma_start3A_97 = tpu.memref_slice %arg4[%select_n3A, %multiple_of3A_94, %dma_start3A_96] : memref<4x8192x1024xf32, #tpu.memory_space<hbm>> -> memref<1x16x1024xf32, #tpu.memory_space<hbm>>
    %dma_start3A_98 = tpu.memref_squeeze %dma_start3A_97 : memref<1x16x1024xf32, #tpu.memory_space<hbm>> -> memref<16x1024xf32, #tpu.memory_space<hbm>>
    %dma_start3A_99 = arith.constant 0 : i32
    %dma_start3A_100 = arith.constant 0 : i32
    %dma_start3A_101 = tpu.memref_slice %arg7[%arg1, %dma_start3A_95, %dma_start3A_99, %dma_start3A_100] : memref<16x3x16x1024xf32, #tpu.memory_space<vmem_shared>> -> memref<1x1x16x1024xf32, #tpu.memory_space<vmem_shared>>
    %dma_start3A_102 = tpu.memref_squeeze %dma_start3A_101 : memref<1x1x16x1024xf32, #tpu.memory_space<vmem_shared>> -> memref<16x1024xf32, #tpu.memory_space<vmem_shared>>
    tpu.enqueue_dma source(%dma_start3A_102 : memref<16x1024xf32, #tpu.memory_space<vmem_shared>>) target(%dma_start3A_98 : memref<16x1024xf32, #tpu.memory_space<hbm>>) target_semaphore(%arg16 : memref<!tpu.dma_semaphore, #tpu.memory_space<semaphore_mem>>)
    %dma_wait3A_103 = arith.constant 2 : i32
    %dma_wait3A_104 = arith.constant 0 : i32
    %dma_wait3A_105 = arith.constant 0 : i32
    %dma_wait3A_106 = arith.constant 0 : i32
    %dma_wait3A_107 = tpu.memref_slice %arg6[%dma_wait3A_103, %dma_wait3A_105, %dma_wait3A_106] : memref<4x16x1024xf32, #tpu.memory_space<vmem>> -> memref<1x16x1024xf32, #tpu.memory_space<vmem>>
    %dma_wait3A_108 = tpu.memref_squeeze %dma_wait3A_107 : memref<1x16x1024xf32, #tpu.memory_space<vmem>> -> memref<16x1024xf32, #tpu.memory_space<vmem>>
    %dma_wait3A_109 = arith.constant 0 : i32
    %dma_wait3A_110 = arith.constant 0 : i32
    %dma_wait3A_111 = tpu.memref_slice %arg7[%arg1, %dma_wait3A_104, %dma_wait3A_109, %dma_wait3A_110] : memref<16x3x16x1024xf32, #tpu.memory_space<vmem_shared>> -> memref<1x1x16x1024xf32, #tpu.memory_space<vmem_shared>>
    %dma_wait3A_112 = tpu.memref_squeeze %dma_wait3A_111 : memref<1x1x16x1024xf32, #tpu.memory_space<vmem_shared>> -> memref<16x1024xf32, #tpu.memory_space<vmem_shared>>
    %dma_wait3A_113 = arith.constant 0 : i32
    %dma_wait3A_114 = arith.constant 0 : i32
    %dma_wait3A_115 = tpu.memref_slice %arg7[%arg1, %dma_wait3A_104, %dma_wait3A_113, %dma_wait3A_114] : memref<16x3x16x1024xf32, #tpu.memory_space<vmem_shared>> -> memref<1x1x16x1024xf32, #tpu.memory_space<vmem_shared>>
    %dma_wait3A_116 = tpu.memref_squeeze %dma_wait3A_115 : memref<1x1x16x1024xf32, #tpu.memory_space<vmem_shared>> -> memref<16x1024xf32, #tpu.memory_space<vmem_shared>>
    %dma_wait3A_117 = arith.constant 0 : i32
    %dma_wait3A_118 = arith.constant 0 : i32
    %dma_wait3A_119 = tpu.memref_slice %arg6[%dma_wait3A_103, %dma_wait3A_117, %dma_wait3A_118] : memref<4x16x1024xf32, #tpu.memory_space<vmem>> -> memref<1x16x1024xf32, #tpu.memory_space<vmem>>
    %dma_wait3A_120 = tpu.memref_squeeze %dma_wait3A_119 : memref<1x16x1024xf32, #tpu.memory_space<vmem>> -> memref<16x1024xf32, #tpu.memory_space<vmem>>
    tpu.wait_dma2 semaphore(%arg14 : memref<!tpu.dma_semaphore, #tpu.memory_space<semaphore_mem>>) src(%dma_wait3A_120 : memref<16x1024xf32, #tpu.memory_space<vmem>>) dst(%dma_wait3A_116 : memref<16x1024xf32, #tpu.memory_space<vmem_shared>>)
    %add3A_121 = arith.constant 992 : i32
    %add3A_122 = arith.addi %mul3A_32, %add3A_121 : i32
    %multiple_of3A_123 = tpu.assume_multiple %add3A_122, 16 : i32
    %dma_start3A_124 = arith.constant 1 : i32
    %dma_start3A_125 = arith.constant 0 : i32
    %dma_start3A_126 = tpu.memref_slice %arg4[%select_n3A, %multiple_of3A_123, %dma_start3A_125] : memref<4x8192x1024xf32, #tpu.memory_space<hbm>> -> memref<1x16x1024xf32, #tpu.memory_space<hbm>>
    %dma_start3A_127 = tpu.memref_squeeze %dma_start3A_126 : memref<1x16x1024xf32, #tpu.memory_space<hbm>> -> memref<16x1024xf32, #tpu.memory_space<hbm>>
    %dma_start3A_128 = arith.constant 0 : i32
    %dma_start3A_129 = arith.constant 0 : i32
    %dma_start3A_130 = tpu.memref_slice %arg7[%arg1, %dma_start3A_124, %dma_start3A_128, %dma_start3A_129] : memref<16x3x16x1024xf32, #tpu.memory_space<vmem_shared>> -> memref<1x1x16x1024xf32, #tpu.memory_space<vmem_shared>>
    %dma_start3A_131 = tpu.memref_squeeze %dma_start3A_130 : memref<1x1x16x1024xf32, #tpu.memory_space<vmem_shared>> -> memref<16x1024xf32, #tpu.memory_space<vmem_shared>>
    tpu.enqueue_dma source(%dma_start3A_131 : memref<16x1024xf32, #tpu.memory_space<vmem_shared>>) target(%dma_start3A_127 : memref<16x1024xf32, #tpu.memory_space<hbm>>) target_semaphore(%arg17 : memref<!tpu.dma_semaphore, #tpu.memory_space<semaphore_mem>>)
    %dma_wait3A_132 = arith.constant 3 : i32
    %dma_wait3A_133 = arith.constant 0 : i32
    %dma_wait3A_134 = arith.constant 0 : i32
    %dma_wait3A_135 = arith.constant 0 : i32
    %dma_wait3A_136 = tpu.memref_slice %arg6[%dma_wait3A_132, %dma_wait3A_134, %dma_wait3A_135] : memref<4x16x1024xf32, #tpu.memory_space<vmem>> -> memref<1x16x1024xf32, #tpu.memory_space<vmem>>
    %dma_wait3A_137 = tpu.memref_squeeze %dma_wait3A_136 : memref<1x16x1024xf32, #tpu.memory_space<vmem>> -> memref<16x1024xf32, #tpu.memory_space<vmem>>
    %dma_wait3A_138 = arith.constant 0 : i32
    %dma_wait3A_139 = arith.constant 0 : i32
    %dma_wait3A_140 = tpu.memref_slice %arg7[%arg1, %dma_wait3A_133, %dma_wait3A_138, %dma_wait3A_139] : memref<16x3x16x1024xf32, #tpu.memory_space<vmem_shared>> -> memref<1x1x16x1024xf32, #tpu.memory_space<vmem_shared>>
    %dma_wait3A_141 = tpu.memref_squeeze %dma_wait3A_140 : memref<1x1x16x1024xf32, #tpu.memory_space<vmem_shared>> -> memref<16x1024xf32, #tpu.memory_space<vmem_shared>>
    %dma_wait3A_142 = arith.constant 0 : i32
    %dma_wait3A_143 = arith.constant 0 : i32
    %dma_wait3A_144 = tpu.memref_slice %arg7[%arg1, %dma_wait3A_133, %dma_wait3A_142, %dma_wait3A_143] : memref<16x3x16x1024xf32, #tpu.memory_space<vmem_shared>> -> memref<1x1x16x1024xf32, #tpu.memory_space<vmem_shared>>
    %dma_wait3A_145 = tpu.memref_squeeze %dma_wait3A_144 : memref<1x1x16x1024xf32, #tpu.memory_space<vmem_shared>> -> memref<16x1024xf32, #tpu.memory_space<vmem_shared>>
    %dma_wait3A_146 = arith.constant 0 : i32
    %dma_wait3A_147 = arith.constant 0 : i32
    %dma_wait3A_148 = tpu.memref_slice %arg6[%dma_wait3A_132, %dma_wait3A_146, %dma_wait3A_147] : memref<4x16x1024xf32, #tpu.memory_space<vmem>> -> memref<1x16x1024xf32, #tpu.memory_space<vmem>>
    %dma_wait3A_149 = tpu.memref_squeeze %dma_wait3A_148 : memref<1x16x1024xf32, #tpu.memory_space<vmem>> -> memref<16x1024xf32, #tpu.memory_space<vmem>>
    tpu.wait_dma2 semaphore(%arg15 : memref<!tpu.dma_semaphore, #tpu.memory_space<semaphore_mem>>) src(%dma_wait3A_149 : memref<16x1024xf32, #tpu.memory_space<vmem>>) dst(%dma_wait3A_145 : memref<16x1024xf32, #tpu.memory_space<vmem_shared>>)
    %add3A_150 = arith.constant 1008 : i32
    %add3A_151 = arith.addi %mul3A_32, %add3A_150 : i32
    %multiple_of3A_152 = tpu.assume_multiple %add3A_151, 16 : i32
    %dma_start3A_153 = arith.constant 2 : i32
    %dma_start3A_154 = arith.constant 0 : i32
    %dma_start3A_155 = tpu.memref_slice %arg4[%select_n3A, %multiple_of3A_152, %dma_start3A_154] : memref<4x8192x1024xf32, #tpu.memory_space<hbm>> -> memref<1x16x1024xf32, #tpu.memory_space<hbm>>
    %dma_start3A_156 = tpu.memref_squeeze %dma_start3A_155 : memref<1x16x1024xf32, #tpu.memory_space<hbm>> -> memref<16x1024xf32, #tpu.memory_space<hbm>>
    %dma_start3A_157 = arith.constant 0 : i32
    %dma_start3A_158 = arith.constant 0 : i32
    %dma_start3A_159 = tpu.memref_slice %arg7[%arg1, %dma_start3A_153, %dma_start3A_157, %dma_start3A_158] : memref<16x3x16x1024xf32, #tpu.memory_space<vmem_shared>> -> memref<1x1x16x1024xf32, #tpu.memory_space<vmem_shared>>
    %dma_start3A_160 = tpu.memref_squeeze %dma_start3A_159 : memref<1x1x16x1024xf32, #tpu.memory_space<vmem_shared>> -> memref<16x1024xf32, #tpu.memory_space<vmem_shared>>
    tpu.enqueue_dma source(%dma_start3A_160 : memref<16x1024xf32, #tpu.memory_space<vmem_shared>>) target(%dma_start3A_156 : memref<16x1024xf32, #tpu.memory_space<hbm>>) target_semaphore(%arg18 : memref<!tpu.dma_semaphore, #tpu.memory_space<semaphore_mem>>)
    %add3A_161 = arith.constant 0 : i32
    %add3A_162 = arith.addi %mul3A_32, %add3A_161 : i32
    %multiple_of3A_163 = tpu.assume_multiple %add3A_162, 16 : i32
    %dma_wait3A_164 = arith.constant 0 : i32
    %dma_wait3A_165 = arith.constant 0 : i32
    %dma_wait3A_166 = tpu.memref_slice %arg4[%select_n3A, %multiple_of3A_163, %dma_wait3A_165] : memref<4x8192x1024xf32, #tpu.memory_space<hbm>> -> memref<1x16x1024xf32, #tpu.memory_space<hbm>>
    %dma_wait3A_167 = tpu.memref_squeeze %dma_wait3A_166 : memref<1x16x1024xf32, #tpu.memory_space<hbm>> -> memref<16x1024xf32, #tpu.memory_space<hbm>>
    %dma_wait3A_168 = arith.constant 0 : i32
    %dma_wait3A_169 = arith.constant 0 : i32
    %dma_wait3A_170 = tpu.memref_slice %arg7[%arg1, %dma_wait3A_164, %dma_wait3A_168, %dma_wait3A_169] : memref<16x3x16x1024xf32, #tpu.memory_space<vmem_shared>> -> memref<1x1x16x1024xf32, #tpu.memory_space<vmem_shared>>
    %dma_wait3A_171 = tpu.memref_squeeze %dma_wait3A_170 : memref<1x1x16x1024xf32, #tpu.memory_space<vmem_shared>> -> memref<16x1024xf32, #tpu.memory_space<vmem_shared>>
    tpu.wait_dma2 semaphore(%arg16 : memref<!tpu.dma_semaphore, #tpu.memory_space<semaphore_mem>>) src(%dma_wait3A_171 : memref<16x1024xf32, #tpu.memory_space<vmem_shared>>) dst(%dma_wait3A_167 : memref<16x1024xf32, #tpu.memory_space<hbm>>)
    %add3A_172 = arith.constant 0 : i32
    %add3A_173 = arith.addi %mul3A_32, %add3A_172 : i32
    %multiple_of3A_174 = tpu.assume_multiple %add3A_173, 16 : i32
    %dma_wait3A_175 = arith.constant 1 : i32
    %dma_wait3A_176 = arith.constant 0 : i32
    %dma_wait3A_177 = tpu.memref_slice %arg4[%select_n3A, %multiple_of3A_174, %dma_wait3A_176] : memref<4x8192x1024xf32, #tpu.memory_space<hbm>> -> memref<1x16x1024xf32, #tpu.memory_space<hbm>>
    %dma_wait3A_178 = tpu.memref_squeeze %dma_wait3A_177 : memref<1x16x1024xf32, #tpu.memory_space<hbm>> -> memref<16x1024xf32, #tpu.memory_space<hbm>>
    %dma_wait3A_179 = arith.constant 0 : i32
    %dma_wait3A_180 = arith.constant 0 : i32
    %dma_wait3A_181 = tpu.memref_slice %arg7[%arg1, %dma_wait3A_175, %dma_wait3A_179, %dma_wait3A_180] : memref<16x3x16x1024xf32, #tpu.memory_space<vmem_shared>> -> memref<1x1x16x1024xf32, #tpu.memory_space<vmem_shared>>
    %dma_wait3A_182 = tpu.memref_squeeze %dma_wait3A_181 : memref<1x1x16x1024xf32, #tpu.memory_space<vmem_shared>> -> memref<16x1024xf32, #tpu.memory_space<vmem_shared>>
    tpu.wait_dma2 semaphore(%arg17 : memref<!tpu.dma_semaphore, #tpu.memory_space<semaphore_mem>>) src(%dma_wait3A_182 : memref<16x1024xf32, #tpu.memory_space<vmem_shared>>) dst(%dma_wait3A_178 : memref<16x1024xf32, #tpu.memory_space<hbm>>)
    %add3A_183 = arith.constant 0 : i32
    %add3A_184 = arith.addi %mul3A_32, %add3A_183 : i32
    %multiple_of3A_185 = tpu.assume_multiple %add3A_184, 16 : i32
    %dma_wait3A_186 = arith.constant 2 : i32
    %dma_wait3A_187 = arith.constant 0 : i32
    %dma_wait3A_188 = tpu.memref_slice %arg4[%select_n3A, %multiple_of3A_185, %dma_wait3A_187] : memref<4x8192x1024xf32, #tpu.memory_space<hbm>> -> memref<1x16x1024xf32, #tpu.memory_space<hbm>>
    %dma_wait3A_189 = tpu.memref_squeeze %dma_wait3A_188 : memref<1x16x1024xf32, #tpu.memory_space<hbm>> -> memref<16x1024xf32, #tpu.memory_space<hbm>>
    %dma_wait3A_190 = arith.constant 0 : i32
    %dma_wait3A_191 = arith.constant 0 : i32
    %dma_wait3A_192 = tpu.memref_slice %arg7[%arg1, %dma_wait3A_186, %dma_wait3A_190, %dma_wait3A_191] : memref<16x3x16x1024xf32, #tpu.memory_space<vmem_shared>> -> memref<1x1x16x1024xf32, #tpu.memory_space<vmem_shared>>
    %dma_wait3A_193 = tpu.memref_squeeze %dma_wait3A_192 : memref<1x1x16x1024xf32, #tpu.memory_space<vmem_shared>> -> memref<16x1024xf32, #tpu.memory_space<vmem_shared>>
    tpu.wait_dma2 semaphore(%arg18 : memref<!tpu.dma_semaphore, #tpu.memory_space<semaphore_mem>>) src(%dma_wait3A_193 : memref<16x1024xf32, #tpu.memory_space<vmem_shared>>) dst(%dma_wait3A_189 : memref<16x1024xf32, #tpu.memory_space<hbm>>)
    %add3A_194 = arith.constant 0 : i32
    %add3A_195 = arith.addi %mul3A_32, %add3A_194 : i32
    %multiple_of3A_196 = tpu.assume_multiple %add3A_195, 16 : i32
    %dma_wait3A_197 = arith.constant 0 : i32
    %dma_wait3A_198 = arith.constant 0 : i32
    %dma_wait3A_199 = arith.constant 0 : i32
    %dma_wait3A_200 = tpu.memref_slice %arg6[%dma_wait3A_197, %dma_wait3A_198, %dma_wait3A_199] : memref<4x16x1024xf32, #tpu.memory_space<vmem>> -> memref<1x16x1024xf32, #tpu.memory_space<vmem>>
    %dma_wait3A_201 = tpu.memref_squeeze %dma_wait3A_200 : memref<1x16x1024xf32, #tpu.memory_space<vmem>> -> memref<16x1024xf32, #tpu.memory_space<vmem>>
    %dma_wait3A_202 = arith.constant 0 : i32
    %dma_wait3A_203 = tpu.memref_slice %arg4[%select_n3A, %multiple_of3A_196, %dma_wait3A_202] : memref<4x8192x1024xf32, #tpu.memory_space<hbm>> -> memref<1x16x1024xf32, #tpu.memory_space<hbm>>
    %dma_wait3A_204 = tpu.memref_squeeze %dma_wait3A_203 : memref<1x16x1024xf32, #tpu.memory_space<hbm>> -> memref<16x1024xf32, #tpu.memory_space<hbm>>
    %dma_wait3A_205 = arith.constant 0 : i32
    %dma_wait3A_206 = tpu.memref_slice %arg4[%select_n3A, %multiple_of3A_196, %dma_wait3A_205] : memref<4x8192x1024xf32, #tpu.memory_space<hbm>> -> memref<1x16x1024xf32, #tpu.memory_space<hbm>>
    %dma_wait3A_207 = tpu.memref_squeeze %dma_wait3A_206 : memref<1x16x1024xf32, #tpu.memory_space<hbm>> -> memref<16x1024xf32, #tpu.memory_space<hbm>>
    %dma_wait3A_208 = arith.constant 0 : i32
    %dma_wait3A_209 = arith.constant 0 : i32
    %dma_wait3A_210 = tpu.memref_slice %arg6[%dma_wait3A_197, %dma_wait3A_208, %dma_wait3A_209] : memref<4x16x1024xf32, #tpu.memory_space<vmem>> -> memref<1x16x1024xf32, #tpu.memory_space<vmem>>
    %dma_wait3A_211 = tpu.memref_squeeze %dma_wait3A_210 : memref<1x16x1024xf32, #tpu.memory_space<vmem>> -> memref<16x1024xf32, #tpu.memory_space<vmem>>
    tpu.wait_dma2 semaphore(%arg12 : memref<!tpu.dma_semaphore, #tpu.memory_space<semaphore_mem>>) src(%dma_wait3A_211 : memref<16x1024xf32, #tpu.memory_space<vmem>>) dst(%dma_wait3A_207 : memref<16x1024xf32, #tpu.memory_space<hbm>>)
    return
  }
}

</mosaic_0001>

<sc_bundles>
// kernel: kernel.3.cloned.1.call-start
scs
__scs_entry_jumppad:
0x0: {  	(pc) =	sbr.rel $0x88, $3  }
0x1: {  	(tag) =	ssettag $0x0;
	lr =	simm.s32 $0x1  }
0x2: {  	[smem:$0x3F9F] =	sst lr;
	_ =	strace $0xD0000000  }
0x3: {  	_ = 	snop  }
0x4: {  	_ = 	snop  }
0x5: {  	_ = 	snop  }
0x6: {  	_ = 	snop  }
0x7: {  	_ = 	snop  }
__scs_overlays_trampoline_lowered:
0x8: {  	[smem:$0x3FAE] =	sst s0  }
0x9: {  	[smem:$0x3FAF] =	sst s1  }
0xa: {  	[smem:$0x3FB0] =	sst s2  }
0xb: {  	[smem:$0x3FB1] =	sst s3  }
0xc: {  	[smem:$0x3FB2] =	sst s4  }
0xd: {  	[smem:$0x3FB3] =	sst s5  }
0xe: {  	[smem:$0x3FB4] =	sst s6  }
0xf: {  	[smem:$0x3FB5] =	sst s7  }
0x10: {  	[smem:$0x3FB6] =	sst s8  }
0x11: {  	[smem:$0x3FB7] =	sst s9;
	s0 =	simm.s32 @!p0 $0x0  }
0x12: {  	s1 =	sld [smem:$0x3F9D];
	s0 =	simm.s32 @p0 $0x1  }
0x13: {  	[smem:$0x3FB8] =	sst s0;
	s0 =	simm.s32 @!p1 $0x0  }
0x14: {  	s2 =	sld [smem:$0x3F9C];
	s0 =	simm.s32 @p1 $0x1  }
0x15: {  	[smem:$0x3FB9] =	sst s0;
	s0 =	simm.s32 @!p2 $0x0  }
0x16: {  	s3 =	sld [smem:$0x3FDB];
	s0 =	simm.s32 @p2 $0x1  }
0x17: {  	s4 =	simm.s32 $0x1BF5;
	[smem:$0x3FBB] =	sst s0  }
0x18: {  	s0 =	sld [smem:$0x3F9E];
	_ =	swait.ge [sflag:s4], $0x0  }
0x19: {  	s7 =	sld [smem:$0x3F9F]  }
0x1a: {  	s8 =	sadd.s32 $0xFFFFE003, lr  }
0x1b: {  	s9 =	sadd.s32 $0xFFFFFEF7, lr;
	s5 =	simm.s32 $0xFFFFFFFF;
	p2 =	slt.u32 s8, $0xFFFFF086  }
0x1c: {  	p1 =	slt.u32 s9, $0xF7A;
	s5 =	simm.s32 @!p2 $0x0  }
0x1d: {  	s5 =	simm.s32 @p1 $0x1;
	p0 =	seq.s32 s7, s2  }
0x1e: {  	s7 =	smul.u32 @!p0 $0xF7A, s2;
	p2 =	seq.s32 @!p0 s5, $0x0  }
0x1f: {  	s9 =	smul.u32 $0xF7A, s1;
	s8 =	simm.s32 @!p0 $0x1BF5;
	p2 =	por !p2, p0  }
0x20: {  	[sflag:s8] =	ssyncset.s32 @!p0 $0xFFFFF086;
	s6 =	sadd.s32 @!p0 s3, s7;
	s7 =	simm.s32 @!p0 $0x108  }
0x21: {  	s3 =	sadd.s32 s3, s9;
	s6 =	sadd.s32 @!p0 $0x88, s6;
	s7 =	simm.s32 @p2 $0x1082  }
0x22: {  	[simem:s7], [sflag:s8] =	dma.local @!p0 [hbm:s6], $0xF7A  }
0x23: {  	s9 =	sor.u32 $0xD0000000, s2;
	s6 =	simm.s32 $0x108;
	_ =	swait.ge @!p0 [sflag:s8], $0x0  }
0x24: {  	s3 =	sadd.s32 $0x88, s3;
	s6 =	simm.s32 @!p1 $0x1082;
	[sflag:s4] =	ssyncset.s32 $0xFFFFF086  }
0x25: {  	[simem:s6], [sflag:s4] =	dma.local [hbm:s3], $0xF7A  }
0x26: {  	[smem:$0x3F9F] =	sst s1;
	(tag) =	ssettag s2;
	_ =	strace s9  }
0x27: {  	s1 =	sld [smem:$0x3FAF]  }
0x28: {  	s2 =	sld [smem:$0x3FB0]  }
0x29: {  	s4 =	sld [smem:$0x3FB2]  }
0x2a: {  	p0 =	seq.s32 s5, $0x0;
	s5 =	sld [smem:$0x3FB3]  }
0x2b: {  	s6 =	sld [smem:$0x3FB4]  }
0x2c: {  	s7 =	sld [smem:$0x3FB5]  }
0x2d: {  	s3 =	simm.s32 $0x108;
	s8 =	sld [smem:$0x3FB6]  }
0x2e: {  	s3 =	simm.s32 @!p0 $0x1082;
	s9 =	sld [smem:$0x3FB7]  }
0x2f: {  	lr =	sadd.s32 s0, s3;
	s0 =	sld [smem:$0x3FAE]  }
0x30: {  	s3 =	sld [smem:$0x3FB1]  }
0x31: {  	[smem:$0x3FBA] =	sst s10  }
0x32: {  	s10 =	sld [smem:$0x3FB8];
	_ =	sdelay $0x3  }
0x33: {  	p0 =	seq.s32 s10, $0x1;
	s10 =	sld [smem:$0x3FBA];
	_ =	sdelay $0x3  }
0x34: {  	[smem:$0x3FBA] =	sst s10  }
0x35: {  	s10 =	sld [smem:$0x3FB9];
	_ =	sdelay $0x3  }
0x36: {  	p1 =	seq.s32 s10, $0x1;
	s10 =	sld [smem:$0x3FBA];
	_ =	sdelay $0x3  }
0x37: {  	[smem:$0x3FBA] =	sst s10  }
0x38: {  	s10 =	sld [smem:$0x3FBB]  }
0x39: {  	_ = 	snop;
	(pc) =	sbr.ind lr, $3  }
0x3a: {  	_ = 	snop  }
0x3b: {  	_ = 	snop  }
0x3c: {  	p2 =	seq.s32 s10, $0x1;
	s10 =	sld [smem:$0x3FBA]  }
0x3d: {  	_ =	shalt  }
0x3e: {  	_ =	shalt  }
0x3f: {  	_ =	shalt  }
0x40: {  	_ =	shalt  }
0x41: {  	_ =	shalt  }
0x42: {  	_ =	shalt  }
0x43: {  	_ =	shalt  }
0x44: {  	_ =	shalt  }
0x45: {  	_ =	shalt  }
0x46: {  	_ =	shalt  }
0x47: {  	_ =	shalt  }
0x48: {  	_ =	shalt  }
0x49: {  	_ =	shalt  }
0x4a: {  	_ =	shalt  }
0x4b: {  	_ =	shalt  }
0x4c: {  	_ =	shalt  }
0x4d: {  	_ =	shalt  }
0x4e: {  	_ =	shalt  }
0x4f: {  	_ =	shalt  }
0x50: {  	_ =	shalt  }
0x51: {  	_ =	shalt  }
0x52: {  	_ =	shalt  }
0x53: {  	_ =	shalt  }
0x54: {  	_ =	shalt  }
0x55: {  	_ =	shalt  }
0x56: {  	_ =	shalt  }
0x57: {  	_ =	shalt  }
0x58: {  	_ =	shalt  }
0x59: {  	_ =	shalt  }
0x5a: {  	_ =	shalt  }
0x5b: {  	_ =	shalt  }
0x5c: {  	_ =	shalt  }
0x5d: {  	_ =	shalt  }
0x5e: {  	_ =	shalt  }
0x5f: {  	_ =	shalt  }
0x60: {  	_ =	shalt  }
0x61: {  	_ =	shalt  }
0x62: {  	_ =	shalt  }
0x63: {  	_ =	shalt  }
0x64: {  	_ =	shalt  }
0x65: {  	_ =	shalt  }
0x66: {  	_ =	shalt  }
0x67: {  	_ =	shalt  }
0x68: {  	_ =	shalt  }
0x69: {  	_ =	shalt  }
0x6a: {  	_ =	shalt  }
0x6b: {  	_ =	shalt  }
0x6c: {  	_ =	shalt  }
0x6d: {  	_ =	shalt  }
0x6e: {  	_ =	shalt  }
0x6f: {  	_ =	shalt  }
0x70: {  	_ =	shalt  }
0x71: {  	_ =	shalt  }
0x72: {  	_ =	shalt  }
0x73: {  	_ =	shalt  }
0x74: {  	_ =	shalt  }
0x75: {  	_ =	shalt  }
0x76: {  	_ =	shalt  }
0x77: {  	_ =	shalt  }
0x78: {  	_ =	shalt  }
0x79: {  	_ =	shalt  }
0x7a: {  	_ =	shalt  }
0x7b: {  	_ =	shalt  }
0x7c: {  	_ =	shalt  }
0x7d: {  	_ =	shalt  }
0x7e: {  	_ =	shalt  }
0x7f: {  	_ =	shalt  }
0x80: {  	_ =	shalt  }
0x81: {  	_ =	shalt  }
0x82: {  	_ =	shalt  }
0x83: {  	_ =	shalt  }
0x84: {  	_ =	shalt  }
0x85: {  	_ =	shalt  }
0x86: {  	_ =	shalt  }
0x87: {  	_ =	shalt  }
.Lfunc_end0:
.L_simem_size_0:
called_computation_lowered:
.L_overlay_start_0:
0x88: {  	s2 =	sld [smem:$0x3FD9]  }
0x89: {  	s3 =	sld [smem:$0x3FFE];
	_ =	sdelay $0x1  }
0x8a: {  	s1 =	srdreg.scid  }
0x8b: {  	s0 =	sand.u32 $0x1, s1  }
0x8c: {  	s18 =	sshll.u32 s0, $0xA;
	s2 =	sadd.s32 s3, s2  }
0x8d: {  	s2 =	sadd.s32 s2, s18  }
0x8e: {  	[smem:$0x3FC6] =	sst s2  }
0x8f: {  	_ = 	snop  }
0x90: {  	s2 =	sld [smem:$0x3FC9]  }
0x91: {  	s19 =	sld [smem:$0x3FC8]  }
0x92: {  	s4 =	sld [smem:$0x3FD0];
	(tm) =	ssettm $0x1  }
0x93: {  	s5 =	sld [smem:$0x3FFB];
	_ =	sdelay $0x3  }
0x94: {  	_ =	strace s5  }
0x95: {  	s5 =	sld [smem:$0x3FFC];
	_ =	sdelay $0x3  }
0x96: {  	_ =	strace s5  }
0x97: {  	s5 =	sld [smem:$0x3FFD];
	_ =	sdelay $0x3  }
0x98: {  	_ =	strace s5  }
0x99: {  	_ =	strace $0x8FFFFFFF  }
0x9a: {  	s20 =	sld [smem:$0x3FDB];
	_ =	sdelay $0x1  }
0x9b: {  	s6 =	simm.s32 $_scs_section_size  }
0x9c: {  	s7 =	simm.s32 $_size__tile_overlayer_lowered;
	s8 =	simm.s32 $_tile_overlayer_lowered  }
0x9d: {  	s23 =	simm.s32 $0x1BFF;
	s22 =	sshll.u32 s8, $0x1;
	s5 =	sadd.s32 s6, s20  }
0x9e: {  	s9 =	simm.s32 $0x0;
	s21 =	sshll.u32 s7, $0x1;
	s7 =	sadd.s32 s22, s5  }
0x9f: {  	[timem:s9], [sflag:s23] =	dma.local [hbm:s7], s21  }
0xa0: {  	_ =	swait.ge [sflag:s23], s21  }
0xa1: {  	s6 =	ssub.s32 $0x0, s21;
	[sflag:s23] =	ssyncset.done $0x0  }
0xa2: {  	[sflag:s23] =	ssyncadd.s32 s6;
	_ =	sdelay $0x1  }
0xa3: {  	s24 =	simm.s32 $0x1B8B  }
0xa4: {  	_ =	swait.ge [sflag:s24], $0x1  }
0xa5: {  	[sflag:s24] =	ssyncset.done $0x0  }
0xa6: {  	s25 =	simm.s32 $0x1B8E;
	[sflag:s24] =	ssyncadd.s32 $0xFFFFFFFF  }
0xa7: {  	s26 =	simm.s32 $execute0_lowered;
	[smem:$0x3FD2] =	sst s25  }
0xa8: {  	s6 =	sshll.u32 s26, $0x1;
	_ =	strace $0x80000046;
	[dreg:$0x1] =	wrdreg $0xFFFFFFFF  }
0xa9: {  	s28 =	simm.s32 $_size_execute0_lowered;
	s5 =	sadd.s32 s5, s6;
	[dreg:$0x0] =	wrdreg $0x0  }
0xaa: {  	s6 =	sshll.u32 s28, $0x1;
	[dreg:$0x2] =	wrdreg s5  }
0xab: {  	[dreg:$0x3] =	wrdreg s6  }
0xac: {  	[dreg:$0x4] =	wrdreg $0xC0  }
0xad: {  	_ =	task [dreg:s9], $0x5FFFF  }
0xae: {  	[dreg:$0x1] =	wrdreg $0xFFFFFFFF  }
0xaf: {  	[dreg:$0x0] =	wrdreg $0x60  }
0xb0: {  	[dreg:$0x2] =	wrdreg s2  }
0xb1: {  	[dreg:$0x3] =	wrdreg s19  }
0xb2: {  	[dreg:$0x4] =	wrdreg s4  }
0xb3: {  	[dreg:$0x5] =	wrdreg $0x104000  }
0xb4: {  	[dreg:$0x6] =	wrdreg $0x9  }
0xb5: {  	_ =	task.clear_ibuf [dreg:s9], $0x7FFFF;
	_ =	strace $0x90000046  }
0xb6: {  	s29 =	simm.s32 $0x9;
	_ =	strace $0x80000048  }
0xb7: {  	_ =	swait.ge [sflag:s29], $0x1  }
0xb8: {  	[sflag:s29] =	ssyncadd.s32 $0xFFFFFFFF  }
0xb9: {  	_ =	strace $0x90000048  }
0xba: {  	_ =	sfence  }
0xbb: {  	s30 =	sld [smem:$0x0];
	_ =	sdelay $0x2  }
0xbc: {  	s31 =	sshll.u32 s1, $0xD;
	s1 =	sshrl.u32 s1, $0x2  }
0xbd: {  	s3 =	sand.u32 $0x4000, s31;
	s1 =	sadd.s32 s1, s30  }
0xbe: {  	s0 =	sor.u32 s3, s0;
	s1 =	sshll.u32 s1, $0x11  }
0xbf: {  	s0 =	sor.u32 s1, s0  }
0xc0: {  	s0 =	sadd.s32 $0x8F2B, s0  }
0xc1: {  	[sflag:s0] =	ssyncadd.remote.s32 $0x1  }
0xc2: {  	_ =	sfence.sel $0xFFFF  }
0xc3: {  	[dreg:$0x0] =	wrdreg $0xFFFFFFFF;
	(pc) =	sbr.abs _section_cstart, $3  }
0xc4: {  	[dreg:$0x1] =	wrdreg $0xFFFFFFFF  }
0xc5: {  	_ =	task.clear_ibuf [dreg:s9], $0x2FFFF;
	_ =	strace $0x9FFFFFFF  }
0xc6: {  	(tm) =	ssettm $0x7FFFFFFF  }
0xc7: {  	_ =	shalt  }
tec
execute0_lowered:
.L_overlay_start_1:
0x0: {  	(tag) =	ssettag $0x1  }
0x1: {  	s0 =	rddreg [dreg:$0x0]  }
0x2: {  	s1 =	rddreg [dreg:$0x1]  }
0x3: {  	s14 =	rddreg [dreg:$0x2]  }
0x4: {  	s2 =	rddreg [dreg:$0x3]  }
0x5: {  	s4 =	simm.s32 $0x0;
	s12 =	stileid.u32;
	s3 =	srdreg.scid  }
0x6: {  	s28 =	simm.s32 $0x8400;
	s29 =	simm.s32 $0xC400;
	s30 =	simm.s32 $0x1  }
0x7: {  	[smem:$0x7FF] =	sst s4;
	s5 =	sshll.u32 s12, $0x1;
	s3 =	sand.u32 $0x1, s3  }
0x8: {  	s7 =	sshrl.u32 s12, $0x2;
	s31 =	smul.u32 $0x30000, s12;
	s15 =	sand.u32 $0x3, s12  }
0x9: {  	_ =	strace $0x80000047;
	s5 =	sand.u32 $0x6, s5;
	s6 =	ssub.s32 $0x2, s3  }
0xa: {  	s8 =	sshll.u32 s7, $0x4;
	s13 =	sshll.u32 s7, $0x17;
	s7 =	sadd.s32 $0x200, s1  }
0xb: {  	s5 =	sor.u32 s3, s5;
	s9 =	sshrl.u32 s6, $0x1;
	s0 =	sadd.s32 s0, s8  }
0xc: {  	s3 =	sshll.u32 s3, $0x14;
	s8 =	simm.s32 $0x0;
	s10 =	sshll.u32 s5, $0x9  }
0xd: {  	s26 =	ssub.s32 s6, s9;
	s6 =	sadd.s32 $0x100, s1;
	s5 =	sshll.u32 s5, $0x14  }
0xe: {  	s9 =	sadd.s32 $0x300, s1;
	s0 =	sadd.s32 s10, s0;
	s5 =	sor.u32 s13, s5  }
0xf: {  	s18 =	smax.u32 s26, $0x1;
	s10 =	simm.s32 $0x4400;
	[dreg:$0x5] =	wrdreg s0  }
0x10: {  	s0 =	sshrl.u32 s31, $0x2;
	[dreg:$0x6] =	wrdreg s5;
	s11 =	sshrl.u32 s5, $0x3  }
0x11: {  	[dreg:$0xa] =	wrdreg s18;
	s18 =	simm.s32 $0x2400;
	s2 =	sadd.s32 s0, s2  }
0x12: {  	s0 =	sadd.s32 s11, s14;
	s11 =	simm.s32 $0x6400;
	s22 =	sadd.s32 $0x8000, s2  }
0x13: {  	[dreg:$0x12] =	wrdreg s2;
	s12 =	sadd.s32 $0x4000, s2;
	s16 =	sadd.s32 $0x1E800, s0  }
0x14: {  	s2 =	sshll.u32 s15, $0x15;
	s17 =	sadd.s32 $0x1F000, s0;
	[dreg:$0x7] =	wrdreg s16  }
0x15: {  	s0 =	sadd.s32 $0x1F800, s0;
	s15 =	simm.s32 $0x1400;
	[dreg:$0x8] =	wrdreg s17  }
0x16: {  	s2 =	sor.u32 s2, s13;
	[dreg:$0x9] =	wrdreg s0;
	s13 =	simm.s32 $0x400  }
0x17: {  	s16 =	simm.s32 $0x1C00;
	s17 =	simm.s32 $0x5C00;
	s19 =	sor.u32 s3, s2  }
0x18: {  	s2 =	sadd.s32 $0xFFFFC000, s19;
	s20 =	sor.u32 $0x8000, s19;
	s3 =	sor.u32 $0x4000, s19  }
0x19: {  	s21 =	sor.u32 $0x18000, s19;
	s25 =	sor.u32 $0x14000, s19;
	s26 =	sor.u32 $0x10000, s19  }
0x1a: {  	s0 =	sor.u32 $0xC000, s19;
	s19 =	simm.s32 $0xC00;
	[dreg:$0xb] =	wrdreg s2  }
0x1b: {  	s2 =	sshrl.u32 s20, $0x3;
	s3 =	sshrl.u32 s3, $0x3;
	s24 =	sshrl.u32 s21, $0x3  }
0x1c: {  	s0 =	sshrl.u32 s0, $0x3;
	s20 =	simm.s32 $0x3400;
	s21 =	simm.s32 $0x4C00  }
0x1d: {  	s2 =	sadd.s32 s2, s14;
	s23 =	sadd.s32 s3, s14;
	s3 =	sshrl.u32 s26, $0x3  }
0x1e: {  	s0 =	sadd.s32 s0, s14;
	s26 =	simm.s32 $0x7C00;
	[dreg:$0xc] =	wrdreg s2  }
.Ltmp0:
0x1f: {  	[dreg:$0xd] =	wrdreg s23;
	s2 =	sadd.s32 s24, s14;
	(pc) =	sbr.rel .LBB2_1-.Ltmp0, $4  }
0x20: {  	s31 =	sadd.s32 s3, s14;
	[dreg:$0x11] =	wrdreg s0;
	s0 =	simm.s32 $0x2C00  }
0x21: {  	v2 =	vlaneseq.u32;
	s3 =	simm.s32 $0x5400;
	[dreg:$0xe] =	wrdreg s2;
	s2 =	sshrl.u32 s25, $0x3  }
0x22: {  	vm0 =	vmmov $0xffff;
	v1 =	vshrl.u32 v2, $0x3;
	s24 =	simm.s32 $0x6C00;
	[dreg:$0x10] =	wrdreg s31;
	s2 =	sadd.s32 s2, s14  }
0x23: {  	v0 =	vand.u32 $0x7, v2;
	v2 =	vor.u32 $0x8, v2;
	v1 =	vmul.u32 $0x8, v1;
	s25 =	simm.s32 $0x7400;
	[dreg:$0xf] =	wrdreg s2;
	s2 =	simm.s32 $0x3C00  }
.LBB2_8:
0x24: {  	s0 =	simm.s32 $0x6  }
0x25: {  	_ =	swait.ge [sflag:s0], $0x4000  }
0x26: {  	[sflag:s0] =	ssyncset.done $0x0  }
0x27: {  	s5 =	rddreg [dreg:$0x7];
	[sflag:s0] =	ssyncadd.s32 $0xFFFFC000  }
0x28: {  	[hbm:s5], [sflag:s14] =	dma.local [spmem:s17], $0x800  }
0x29: {  	s14 =	simm.s32 $0x7  }
0x2a: {  	_ =	swait.ge [sflag:s14], $0x4000  }
0x2b: {  	[sflag:s14] =	ssyncset.done $0x0;
	s15 =	rddreg [dreg:$0x8]  }
0x2c: {  	s18 =	simm.s32 $0x8;
	s17 =	rddreg [dreg:$0x14];
	[sflag:s14] =	ssyncadd.s32 $0xFFFFC000  }
0x2d: {  	[hbm:s15], [sflag:s16] =	dma.local [spmem:s17], $0x800  }
0x2e: {  	_ =	swait.ge [sflag:s18], $0x4000  }
0x2f: {  	[sflag:s18] =	ssyncset.done $0x0  }
0x30: {  	s21 =	simm.s32 $0x9;
	s20 =	rddreg [dreg:$0x9];
	[sflag:s18] =	ssyncadd.s32 $0xFFFFC000  }
0x31: {  	[hbm:s20], [sflag:s31] =	dma.local [spmem:s8], $0x800  }
0x32: {  	_ =	swait.ge [sflag:s21], $0x800  }
0x33: {  	[sflag:s21] =	ssyncset.done $0x0  }
0x34: {  	s23 =	simm.s32 $0xA;
	[sflag:s21] =	ssyncadd.s32 $0xFFFFF800  }
0x35: {  	_ =	swait.ge [sflag:s23], $0x800  }
0x36: {  	[sflag:s23] =	ssyncset.done $0x0  }
0x37: {  	s24 =	simm.s32 $0xB;
	[sflag:s23] =	ssyncadd.s32 $0xFFFFF800  }
0x38: {  	_ =	swait.ge [sflag:s24], $0x800  }
0x39: {  	[sflag:s24] =	ssyncset.done $0x0  }
0x3a: {  	s25 =	simm.s32 $0x5;
	[sflag:s24] =	ssyncadd.s32 $0xFFFFF800  }
0x3b: {  	_ =	swait.ge [sflag:s25], $0x4000  }
0x3c: {  	s26 =	rddreg [dreg:$0x13]  }
0x3d: {  	s13 =	simm.s32 $0x400;
	s31 =	rddreg [dreg:$0xa];
	s8 =	sadd.s32 $0x1, s26  }
0x3e: {  	s2 =	simm.s32 $0x3C00;
	s10 =	simm.s32 $0x4400;
	p0 =	sne.s32 s8, s31  }
.Ltmp1:
0x3f: {  	s3 =	simm.s32 $0x5400;
	s11 =	simm.s32 $0x6400;
	(pc) =	sbr.rel @!p0 .LBB2_9-.Ltmp1, $4  }
0x40: {  	s0 =	simm.s32 $0x2C00;
	s15 =	simm.s32 $0x1400;
	s16 =	simm.s32 $0x1C00  }
0x41: {  	s17 =	simm.s32 $0x5C00;
	s18 =	simm.s32 $0x2400;
	s20 =	simm.s32 $0x3400  }
0x42: {  	s21 =	simm.s32 $0x4C00;
	s24 =	simm.s32 $0x6C00;
	[sflag:s25] =	ssyncset.done $0x0  }
0x43: {  	[sflag:s25] =	ssyncadd.s32 $0xFFFFC000;
	s25 =	simm.s32 $0x7400;
	s26 =	simm.s32 $0x7C00  }
.LBB2_1:
0x44: {  	[dreg:$0x13] =	wrdreg s8  }
0x45: {  	s5 =	rddreg [dreg:$0x5]  }
0x46: {  	s23 =	simm.s32 $0x80;
	s14 =	simm.s32 $0x200;
	s31 =	simm.s32 $0xC  }
0x47: {  	[tilespmem:s4], [sflag:$0xC] =	stream.strided.gather [hbm4b:s5+s23], $0x400, s14, s23, $0x38;
	[tilespmem:$0x1C400] =	vst v63  }
0x48: {  	_ =	swait.ge [sflag:s31], $0x400  }
0x49: {  	[sflag:s31] =	ssyncset.done $0x0  }
0x4a: {  	s8 =	simm.s32 $0x40;
	s5 =	simm.s32 $0x0;
	[sflag:s31] =	ssyncadd.s32 $0xFFFFFC00  }
.LBB2_2:
0x4b: {  	p0 =	sne.s32 s8, $0xFC0;
	v3 =	vld [tilespmem:s5+$0x0];
	_ =	sdelay $0x3  }
.Ltmp2:
0x4c: {  	(pc) =	sbr.rel @p0 .LBB2_2-.Ltmp2, $4  }
0x4d: {  	vm1 =	vgt.s32 v3, $0x0  }
0x4e: {  	v3 =	vnsel vm1, $0x0, v3  }
0x4f: {  	v3 =	vmin.u32 v3, $0x1FFF  }
0x50: {  	[tilespmem:s5+$0x0] =	vst v3;
	s5 =	sshra.s32 s8, $0x2;
	s8 =	sadd.s32 $0x40, s8  }
0x51: {  	v3 =	vld [tilespmem:s5+$0x0];
	_ =	sdelay $0x4  }
0x52: {  	vm1 =	vgt.s32 v3, $0x0  }
0x53: {  	v3 =	vnsel vm1, $0x0, v3  }
0x54: {  	v3 =	vmin.u32 v3, $0x1FFF  }
0x55: {  	[tilespmem:s5+$0x0] =	vst v3  }
0x56: {  	v3 =	vld [tilespmem:$0x0];
	_ =	sdelay $0x4  }
0x57: {  	v4 =	vshll.u32 v3, $0x3  }
0x58: {  	v3 =	vand.u32 $0x7, v3;
	v4 =	vand.u32 $0xFFFFFFC0, v4  }
0x59: {  	v3 =	vor.u32 v3, v4  }
0x5a: {  	v4 =	vperm.xlane v3, v0;
	_ =	sdelay $0x1  }
0x5b: {  	v4 =	vadd.s32 v1, v4;
	_ =	sdelay $0x3  }
0x5c: {  	s23 =	simm.s32 $0x0  }
0x5d: {  	[tilespmem:s13], [sflag:$0x1] =	stream.indirect_vreg.gather [hbm4b:s1+s23], $0x80, v4, vm0, $0xb8;
	[tilespmem:$0x1C400] =	vst v63  }
0x5e: {  	v3 =	vperm.xlane v3, v2  }
0x5f: {  	[tilespmem:s19], [sflag:$0x1] =	stream.indirect_vreg.gather [hbm4b:s6+s23], $0x80, v4, vm0, $0xb8;
	[tilespmem:$0x1C400] =	vst v63  }
0x60: {  	v3 =	vadd.s32 v1, v3  }
0x61: {  	[tilespmem:s15], [sflag:$0x1] =	stream.indirect_vreg.gather [hbm4b:s7+s23], $0x80, v4, vm0, $0xb8;
	[tilespmem:$0x1C400] =	vst v63  }
0x62: {  	_ = 	snop  }
0x63: {  	[tilespmem:s16], [sflag:$0x1] =	stream.indirect_vreg.gather [hbm4b:s9+s23], $0x80, v4, vm0, $0xb8;
	[tilespmem:$0x1C400] =	vst v63  }
0x64: {  	_ = 	snop  }
0x65: {  	[tilespmem:s18], [sflag:$0x1] =	stream.indirect_vreg.gather [hbm4b:s1+s23], $0x80, v3, vm0, $0xb8;
	[tilespmem:$0x1C400] =	vst v63  }
0x66: {  	_ = 	snop  }
0x67: {  	[tilespmem:s0], [sflag:$0x1] =	stream.indirect_vreg.gather [hbm4b:s6+s23], $0x80, v3, vm0, $0xb8;
	[tilespmem:$0x1C400] =	vst v63  }
0x68: {  	_ = 	snop  }
0x69: {  	[tilespmem:s20], [sflag:$0x1] =	stream.indirect_vreg.gather [hbm4b:s7+s23], $0x80, v3, vm0, $0xb8;
	[tilespmem:$0x1C400] =	vst v63  }
0x6a: {  	_ = 	snop  }
0x6b: {  	[tilespmem:s2], [sflag:$0x1] =	stream.indirect_vreg.gather [hbm4b:s9+s23], $0x80, v3, vm0, $0xb8;
	[tilespmem:$0x1C400] =	vst v63  }
0x6c: {  	v3 =	vld [tilespmem:$0x10];
	_ =	sdelay $0x4  }
0x6d: {  	v62 =	vshll.u32 v3, $0x3  }
0x6e: {  	v3 =	vand.u32 $0x7, v3;
	v4 =	vand.u32 $0xFFFFFFC0, v62  }
0x6f: {  	v3 =	vor.u32 v3, v4  }
0x70: {  	v4 =	vperm.xlane v3, v0;
	_ =	sdelay $0x1  }
0x71: {  	v4 =	vadd.s32 v1, v4;
	_ =	sdelay $0x4  }
0x72: {  	[tilespmem:s10], [sflag:$0x2] =	stream.indirect_vreg.gather [hbm4b:s1+s23], $0x80, v4, vm0, $0xb8;
	[tilespmem:$0x1C400] =	vst v63  }
0x73: {  	v3 =	vperm.xlane v3, v2  }
0x74: {  	[tilespmem:s21], [sflag:$0x2] =	stream.indirect_vreg.gather [hbm4b:s6+s23], $0x80, v4, vm0, $0xb8;
	[tilespmem:$0x1C400] =	vst v63  }
0x75: {  	v3 =	vadd.s32 v1, v3  }
0x76: {  	[tilespmem:s3], [sflag:$0x2] =	stream.indirect_vreg.gather [hbm4b:s7+s23], $0x80, v4, vm0, $0xb8;
	[tilespmem:$0x1C400] =	vst v63  }
0x77: {  	_ = 	snop  }
0x78: {  	[tilespmem:s17], [sflag:$0x2] =	stream.indirect_vreg.gather [hbm4b:s9+s23], $0x80, v4, vm0, $0xb8;
	[tilespmem:$0x1C400] =	vst v63  }
0x79: {  	_ = 	snop  }
0x7a: {  	[tilespmem:s11], [sflag:$0x2] =	stream.indirect_vreg.gather [hbm4b:s1+s23], $0x80, v3, vm0, $0xb8;
	[tilespmem:$0x1C400] =	vst v63  }
0x7b: {  	_ = 	snop  }
0x7c: {  	[tilespmem:s24], [sflag:$0x2] =	stream.indirect_vreg.gather [hbm4b:s6+s23], $0x80, v3, vm0, $0xb8;
	[tilespmem:$0x1C400] =	vst v63  }
0x7d: {  	_ = 	snop  }
0x7e: {  	[tilespmem:s25], [sflag:$0x2] =	stream.indirect_vreg.gather [hbm4b:s7+s23], $0x80, v3, vm0, $0xb8;
	[tilespmem:$0x1C400] =	vst v63  }
0x7f: {  	_ = 	snop  }
0x80: {  	[tilespmem:s26], [sflag:$0x2] =	stream.indirect_vreg.gather [hbm4b:s9+s23], $0x80, v3, vm0, $0xb8;
	[tilespmem:$0x1C400] =	vst v63  }
0x81: {  	v3 =	vld [tilespmem:$0x20];
	_ =	sdelay $0x4  }
0x82: {  	v63 =	vshll.u32 v3, $0x3  }
0x83: {  	v3 =	vand.u32 $0x7, v3;
	v4 =	vand.u32 $0xFFFFFFC0, v63  }
0x84: {  	v3 =	vor.u32 v3, v4  }
0x85: {  	v4 =	vperm.xlane v3, v0;
	_ =	sdelay $0x1  }
0x86: {  	v4 =	vadd.s32 v1, v4;
	_ =	sdelay $0x4  }
0x87: {  	[tilespmem:s28], [sflag:$0x3] =	stream.indirect_vreg.gather [hbm4b:s1+s23], $0x80, v4, vm0, $0xb8;
	[tilespmem:$0x1C400] =	vst v63  }
0x88: {  	s20 =	simm.s32 $0x8C00;
	v3 =	vperm.xlane v3, v2  }
0x89: {  	[tilespmem:s20], [sflag:$0x3] =	stream.indirect_vreg.gather [hbm4b:s6+s23], $0x80, v4, vm0, $0xb8;
	[tilespmem:$0x1C400] =	vst v63  }
0x8a: {  	s21 =	simm.s32 $0x9400;
	v3 =	vadd.s32 v1, v3  }
0x8b: {  	[tilespmem:s21], [sflag:$0x3] =	stream.indirect_vreg.gather [hbm4b:s7+s23], $0x80, v4, vm0, $0xb8;
	[tilespmem:$0x1C400] =	vst v63  }
0x8c: {  	s24 =	simm.s32 $0x9C00  }
0x8d: {  	[tilespmem:s24], [sflag:$0x3] =	stream.indirect_vreg.gather [hbm4b:s9+s23], $0x80, v4, vm0, $0xb8;
	[tilespmem:$0x1C400] =	vst v63  }
0x8e: {  	s25 =	simm.s32 $0xA400  }
0x8f: {  	[tilespmem:s25], [sflag:$0x3] =	stream.indirect_vreg.gather [hbm4b:s1+s23], $0x80, v3, vm0, $0xb8;
	[tilespmem:$0x1C400] =	vst v63  }
0x90: {  	s26 =	simm.s32 $0xAC00  }
0x91: {  	[tilespmem:s26], [sflag:$0x3] =	stream.indirect_vreg.gather [hbm4b:s6+s23], $0x80, v3, vm0, $0xb8;
	[tilespmem:$0x1C400] =	vst v63  }
.Ltmp3:
0x92: {  	_ = 	snop;
	(pc) =	sbr.rel .LBB2_4-.Ltmp3, $4  }
0x93: {  	s31 =	simm.s32 $0xBC00;
	s5 =	simm.s32 $0x0;
	s28 =	simm.s32 $0xB400  }
0x94: {  	[tilespmem:s28], [sflag:$0x3] =	stream.indirect_vreg.gather [hbm4b:s7+s23], $0x80, v3, vm0, $0xb8;
	[tilespmem:$0x1C400] =	vst v63  }
0x95: {  	s2 =	simm.s32 $0x2;
	s24 =	simm.s32 $0x50;
	s25 =	simm.s32 $0x3  }
0x96: {  	[tilespmem:s31], [sflag:$0x3] =	stream.indirect_vreg.gather [hbm4b:s9+s23], $0x80, v3, vm0, $0xb8;
	[tilespmem:$0x1C400] =	vst v63  }
.LBB2_6:
0x97: {  	_ =	swait.ge [sflag:s2], $0x4000  }
0x98: {  	[sflag:s2] =	ssyncset.done $0x0  }
0x99: {  	s29 =	simm.s32 $0x9;
	[sflag:s2] =	ssyncadd.s32 $0xFFFFC000  }
0x9a: {  	_ =	swait.ge [sflag:s29], $0x800  }
0x9b: {  	[sflag:s29] =	ssyncset.done $0x0  }
0x9c: {  	[sflag:s29] =	ssyncadd.s32 $0xFFFFF800  }
0x9d: {  	[spmem:s21] =	stream.linear.scatter [tilespmem:s10], [sflag:$0x6], $0x4000, $0x38;
	[tilespmem:$0x1C400] =	vst v63  }
.LBB2_7:
0x9e: {  	s2 =	simm.s32 $0x3  }
0x9f: {  	_ =	swait.ge [sflag:s2], $0x4000  }
0xa0: {  	[sflag:s2] =	ssyncset.done $0x0  }
0xa1: {  	s21 =	simm.s32 $0xA;
	[sflag:s2] =	ssyncadd.s32 $0xFFFFC000  }
0xa2: {  	_ =	swait.ge [sflag:s21], $0x800  }
0xa3: {  	[sflag:s21] =	ssyncset.done $0x0  }
0xa4: {  	s28 =	simm.s32 $0x8400;
	s18 =	simm.s32 @!p0 $0x7;
	[sflag:s21] =	ssyncadd.s32 $0xFFFFF800  }
0xa5: {  	[spmem:s12] =	stream.linear.scatter [tilespmem:s28], [sflag:$0x7], $0x4000, $0x38;
	[tilespmem:$0x1C400] =	vst v63  }
0xa6: {  	_ =	swait.ge @!p0 [sflag:s18], $0x4000  }
0xa7: {  	[sflag:s18] =	ssyncset.done @!p0 $0x0  }
0xa8: {  	[sflag:s18] =	ssyncadd.s32 @!p0 $0xFFFFC000;
	s18 =	rddreg [dreg:$0xe]  }
0xa9: {  	s19 =	sshrl.u32 @!p0 s12, $0x3;
	s18 =	sadd.s32 @!p0 s5, s18  }
0xaa: {  	[hbm:s18], [sflag:s16] =	dma.local @!p0 [spmem:s19], $0x800  }
0xab: {  	v3 =	vld @!p0 [tilespmem:s24+$0x50];
	_ =	sdelay $0x4  }
0xac: {  	v4 =	vshll.u32 @!p0 v3, $0x3  }
0xad: {  	v5 =	vlaneseq.u32 @!p0;
	v3 =	vand.u32 @!p0 $0x7, v3;
	v4 =	vand.u32 @!p0 $0xFFFFFFC0, v4  }
0xae: {  	v6 =	vshrl.u32 @!p0 v5, $0x3;
	v3 =	vor.u32 @!p0 v3, v4;
	v4 =	vand.u32 @!p0 $0x7, v5  }
0xaf: {  	v6 =	vmul.u32 @!p0 $0x8, v6;
	v4 =	vperm.xlane @!p0 v3, v4;
	_ =	sdelay $0x1  }
0xb0: {  	v4 =	vadd.s32 @!p0 v6, v4;
	_ =	sdelay $0x3  }
0xb1: {  	vm1 =	vmmov @!p0 $0xffff;
	s18 =	simm.s32 @!p0 $0x0;
	s19 =	simm.s32 @!p0 $0x8400  }
0xb2: {  	v5 =	vor.u32 @!p0 $0x8, v5;
	[tilespmem:s19], [sflag:$0x3] =	stream.indirect_vreg.gather @!p0 [hbm4b:s1+s18], $0x80, v4, vm1, $0xb8;
	[tilespmem:$0x1C400] =	vst v63  }
0xb3: {  	v3 =	vperm.xlane @!p0 v3, v5;
	s19 =	simm.s32 @!p0 $0x8C00  }
0xb4: {  	[tilespmem:s19], [sflag:$0x3] =	stream.indirect_vreg.gather @!p0 [hbm4b:s6+s18], $0x80, v4, vm1, $0xb8;
	[tilespmem:$0x1C400] =	vst v63  }
0xb5: {  	v3 =	vadd.s32 @!p0 v6, v3;
	s19 =	simm.s32 @!p0 $0x9400  }
0xb6: {  	[tilespmem:s19], [sflag:$0x3] =	stream.indirect_vreg.gather @!p0 [hbm4b:s7+s18], $0x80, v4, vm1, $0xb8;
	[tilespmem:$0x1C400] =	vst v63  }
0xb7: {  	s19 =	simm.s32 @!p0 $0x9C00  }
0xb8: {  	[tilespmem:s19], [sflag:$0x3] =	stream.indirect_vreg.gather @!p0 [hbm4b:s9+s18], $0x80, v4, vm1, $0xb8;
	[tilespmem:$0x1C400] =	vst v63  }
0xb9: {  	s19 =	simm.s32 @!p0 $0xA400  }
0xba: {  	[tilespmem:s19], [sflag:$0x3] =	stream.indirect_vreg.gather @!p0 [hbm4b:s1+s18], $0x80, v3, vm1, $0xb8;
	[tilespmem:$0x1C400] =	vst v63  }
0xbb: {  	s19 =	simm.s32 @!p0 $0xAC00  }
0xbc: {  	[tilespmem:s19], [sflag:$0x3] =	stream.indirect_vreg.gather @!p0 [hbm4b:s6+s18], $0x80, v3, vm1, $0xb8;
	[tilespmem:$0x1C400] =	vst v63  }
0xbd: {  	s19 =	simm.s32 @!p0 $0xB400  }
0xbe: {  	[tilespmem:s19], [sflag:$0x3] =	stream.indirect_vreg.gather @!p0 [hbm4b:s7+s18], $0x80, v3, vm1, $0xb8;
	[tilespmem:$0x1C400] =	vst v63  }
0xbf: {  	s22 =	simm.s32 $0x4;
	s19 =	simm.s32 @!p0 $0xBC00  }
0xc0: {  	[tilespmem:s19], [sflag:$0x3] =	stream.indirect_vreg.gather @!p0 [hbm4b:s9+s18], $0x80, v3, vm1, $0xb8;
	[tilespmem:$0x1C400] =	vst v63  }
0xc1: {  	s5 =	sadd.s32 $0x4000, s5;
	_ =	swait.ge [sflag:s22], $0x4000  }
0xc2: {  	s26 =	simm.s32 $0xB;
	p0 =	sne.s32 s5, $0x20000;
	[sflag:s22] =	ssyncset.done $0x0  }
.Ltmp4:
0xc3: {  	s29 =	simm.s32 $0xC400;
	[sflag:s22] =	ssyncadd.s32 $0xFFFFC000;
	(pc) =	sbr.rel @!p0 .LBB2_8-.Ltmp4, $4  }
0xc4: {  	s23 =	sadd.s32 $0x20000, s23;
	s25 =	sadd.s32 $0x8, s25;
	_ =	swait.ge [sflag:s26], $0x800  }
0xc5: {  	s2 =	simm.s32 $0x2;
	s24 =	sadd.s32 $0x80, s24;
	[sflag:s26] =	ssyncset.done $0x0  }
0xc6: {  	s19 =	simm.s32 $0xC00;
	s22 =	smov.u32 s0;
	[sflag:s26] =	ssyncadd.s32 $0xFFFFF800  }
0xc7: {  	[spmem:s0] =	stream.linear.scatter [tilespmem:s29], [sflag:$0x8], $0x4000, $0x38;
	[tilespmem:$0x1C400] =	vst v63  }
.LBB2_4:
0xc8: {  	p0 =	seq.s32 s5, $0x0  }
0xc9: {  	s8 =	simm.s32 @!p0 $0x8  }
0xca: {  	_ =	swait.ge @!p0 [sflag:s8], $0x4000  }
0xcb: {  	[sflag:s8] =	ssyncset.done @!p0 $0x0;
	s14 =	rddreg [dreg:$0xb]  }
0xcc: {  	s18 =	stileid.u32;
	s14 =	sadd.s32 @!p0 s23, s14;
	[sflag:s8] =	ssyncadd.s32 @!p0 $0xFFFFC000  }
0xcd: {  	s8 =	sshrl.u32 @!p0 s14, $0x3;
	s14 =	sshll.u32 @!p0 s18, $0x6;
	s16 =	rddreg [dreg:$0x2]  }
0xce: {  	s15 =	sshrl.u32 @!p0 s22, $0x3;
	s8 =	sadd.s32 @!p0 s16, s8;
	s14 =	sor.u32 @!p0 $0x1C0B, s14  }
0xcf: {  	[hbm:s8], [sflag:s14] =	dma.local @!p0 [spmem:s15], $0x800  }
0xd0: {  	v3 =	vld [tilespmem:s24+$0xFFFFFFE0];
	_ =	sdelay $0x4  }
0xd1: {  	v4 =	vshll.u32 v3, $0x3  }
0xd2: {  	v3 =	vand.u32 $0x7, v3;
	v4 =	vand.u32 $0xFFFFFFC0, v4  }
0xd3: {  	v3 =	vor.u32 v3, v4  }
0xd4: {  	v4 =	vperm.xlane v3, v0;
	_ =	sdelay $0x1  }
0xd5: {  	v4 =	vadd.s32 v1, v4;
	_ =	sdelay $0x4  }
0xd6: {  	[tilespmem:s29], [sflag:$0x4] =	stream.indirect_vreg.gather [hbm4b:s1+s4], $0x80, v4, vm0, $0xb8;
	[tilespmem:$0x1C400] =	vst v63  }
0xd7: {  	s0 =	simm.s32 $0xCC00;
	v3 =	vperm.xlane v3, v2  }
0xd8: {  	[tilespmem:s0], [sflag:$0x4] =	stream.indirect_vreg.gather [hbm4b:s6+s4], $0x80, v4, vm0, $0xb8;
	[tilespmem:$0x1C400] =	vst v63  }
0xd9: {  	s26 =	simm.s32 $0xD400;
	v3 =	vadd.s32 v1, v3  }
0xda: {  	[tilespmem:s26], [sflag:$0x4] =	stream.indirect_vreg.gather [hbm4b:s7+s4], $0x80, v4, vm0, $0xb8;
	[tilespmem:$0x1C400] =	vst v63  }
0xdb: {  	s28 =	simm.s32 $0xDC00  }
0xdc: {  	[tilespmem:s28], [sflag:$0x4] =	stream.indirect_vreg.gather [hbm4b:s9+s4], $0x80, v4, vm0, $0xb8;
	[tilespmem:$0x1C400] =	vst v63  }
0xdd: {  	s29 =	simm.s32 $0xE400  }
0xde: {  	[tilespmem:s29], [sflag:$0x4] =	stream.indirect_vreg.gather [hbm4b:s1+s4], $0x80, v3, vm0, $0xb8;
	[tilespmem:$0x1C400] =	vst v63  }
0xdf: {  	s20 =	simm.s32 $0xEC00  }
0xe0: {  	[tilespmem:s20], [sflag:$0x4] =	stream.indirect_vreg.gather [hbm4b:s6+s4], $0x80, v3, vm0, $0xb8;
	[tilespmem:$0x1C400] =	vst v63  }
0xe1: {  	s28 =	simm.s32 $0xF400  }
0xe2: {  	[tilespmem:s28], [sflag:$0x4] =	stream.indirect_vreg.gather [hbm4b:s7+s4], $0x80, v3, vm0, $0xb8;
	[tilespmem:$0x1C400] =	vst v63  }
0xe3: {  	s26 =	simm.s32 $0xFC00  }
0xe4: {  	[tilespmem:s26], [sflag:$0x4] =	stream.indirect_vreg.gather [hbm4b:s9+s4], $0x80, v3, vm0, $0xb8;
	[tilespmem:$0x1C400] =	vst v63  }
0xe5: {  	s8 =	smov.u32 s23;
	_ =	swait.ge [sflag:s30], $0x4000  }
0xe6: {  	s8 =	simm.s32 @p0 $0x0;
	s3 =	rddreg [dreg:$0x6]  }
0xe7: {  	s8 =	sadd.s32 s3, s8  }
0xe8: {  	s13 =	simm.s32 $0x400;
	[sflag:s30] =	ssyncset.done $0x0;
	s8 =	sshrl.u32 s8, $0x3  }
0xe9: {  	[sflag:s30] =	ssyncadd.s32 $0xFFFFC000;
	s3 =	simm.s32 $0x5;
	s8 =	sadd.s32 s16, s8  }
0xea: {  	[hbm4b:s8+s4] =	stream.linear.scatter [tilespmem:s13], [sflag:$0x5], $0x4000, $0x38;
	[tilespmem:$0x1C400] =	vst v63  }
0xeb: {  	_ =	swait.ge [sflag:s3], $0x4000  }
0xec: {  	[sflag:s3] =	ssyncset.done $0x0  }
0xed: {  	[sflag:s3] =	ssyncadd.s32 $0xFFFFC000  }
0xee: {  	v3 =	vld [tilespmem:s24+$0xFFFFFFF0];
	_ =	sdelay $0x4  }
0xef: {  	v60 =	vshll.u32 v3, $0x3  }
0xf0: {  	v3 =	vand.u32 $0x7, v3;
	v4 =	vand.u32 $0xFFFFFFC0, v60  }
0xf1: {  	v3 =	vor.u32 v3, v4  }
0xf2: {  	v4 =	vperm.xlane v3, v0;
	_ =	sdelay $0x1  }
0xf3: {  	v4 =	vadd.s32 v1, v4;
	_ =	sdelay $0x4  }
0xf4: {  	[tilespmem:s13], [sflag:$0x1] =	stream.indirect_vreg.gather [hbm4b:s1+s4], $0x80, v4, vm0, $0xb8;
	[tilespmem:$0x1C400] =	vst v63  }
0xf5: {  	v3 =	vperm.xlane v3, v2  }
0xf6: {  	[tilespmem:s19], [sflag:$0x1] =	stream.indirect_vreg.gather [hbm4b:s6+s4], $0x80, v4, vm0, $0xb8;
	[tilespmem:$0x1C400] =	vst v63  }
0xf7: {  	s10 =	simm.s32 $0x1400;
	v3 =	vadd.s32 v1, v3  }
0xf8: {  	[tilespmem:s10], [sflag:$0x1] =	stream.indirect_vreg.gather [hbm4b:s7+s4], $0x80, v4, vm0, $0xb8;
	[tilespmem:$0x1C400] =	vst v63  }
0xf9: {  	s11 =	simm.s32 $0x1C00  }
0xfa: {  	[tilespmem:s11], [sflag:$0x1] =	stream.indirect_vreg.gather [hbm4b:s9+s4], $0x80, v4, vm0, $0xb8;
	[tilespmem:$0x1C400] =	vst v63  }
0xfb: {  	s0 =	smov.u32 s12;
	s12 =	simm.s32 $0x2400  }
0xfc: {  	[tilespmem:s12], [sflag:$0x1] =	stream.indirect_vreg.gather [hbm4b:s1+s4], $0x80, v3, vm0, $0xb8;
	[tilespmem:$0x1C400] =	vst v63  }
0xfd: {  	s14 =	simm.s32 $0x2C00  }
0xfe: {  	[tilespmem:s14], [sflag:$0x1] =	stream.indirect_vreg.gather [hbm4b:s6+s4], $0x80, v3, vm0, $0xb8;
	[tilespmem:$0x1C400] =	vst v63  }
0xff: {  	s16 =	simm.s32 $0x3400  }
0x100: {  	[tilespmem:s16], [sflag:$0x1] =	stream.indirect_vreg.gather [hbm4b:s7+s4], $0x80, v3, vm0, $0xb8;
	[tilespmem:$0x1C400] =	vst v63  }
0x101: {  	s17 =	simm.s32 $0x3C00  }
0x102: {  	[tilespmem:s17], [sflag:$0x1] =	stream.indirect_vreg.gather [hbm4b:s9+s4], $0x80, v3, vm0, $0xb8;
	[tilespmem:$0x1C400] =	vst v63  }
0x103: {  	_ =	swait.ge [sflag:s2], $0x4000  }
0x104: {  	[sflag:s2] =	ssyncset.done $0x0  }
0x105: {  	s8 =	simm.s32 @!p0 $0x9;
	[sflag:s2] =	ssyncadd.s32 $0xFFFFC000  }
0x106: {  	_ =	swait.ge @!p0 [sflag:s8], $0x800  }
0x107: {  	s10 =	simm.s32 $0x4400;
	[sflag:s8] =	ssyncset.done @!p0 $0x0  }
0x108: {  	s11 =	simm.s32 $0x6;
	s21 =	rddreg [dreg:$0x12];
	[sflag:s8] =	ssyncadd.s32 @!p0 $0xFFFFF800  }
0x109: {  	[spmem:s21] =	stream.linear.scatter [tilespmem:s10], [sflag:$0x6], $0x4000, $0x38;
	[tilespmem:$0x1C400] =	vst v63  }
0x10a: {  	s8 =	sshll.u32 s18, $0x6;
	_ =	swait.ge [sflag:s11], $0x4000  }
0x10b: {  	s17 =	sshrl.u32 s21, $0x3;
	[sflag:s11] =	ssyncset.done $0x0;
	s18 =	rddreg [dreg:$0xd]  }
0x10c: {  	s14 =	sor.u32 $0x1C09, s8;
	[sflag:s11] =	ssyncadd.s32 $0xFFFFC000;
	s12 =	sadd.s32 s5, s18  }
0x10d: {  	[hbm:s12], [sflag:s14] =	dma.local [spmem:s17], $0x800  }
0x10e: {  	v3 =	vld [tilespmem:s24+$0x0];
	_ =	sdelay $0x4  }
0x10f: {  	v61 =	vshll.u32 v3, $0x3  }
0x110: {  	v3 =	vand.u32 $0x7, v3;
	v4 =	vand.u32 $0xFFFFFFC0, v61  }
0x111: {  	v3 =	vor.u32 v3, v4  }
0x112: {  	v4 =	vperm.xlane v3, v0;
	_ =	sdelay $0x1  }
0x113: {  	v4 =	vadd.s32 v1, v4;
	_ =	sdelay $0x4  }
0x114: {  	[tilespmem:s10], [sflag:$0x2] =	stream.indirect_vreg.gather [hbm4b:s1+s4], $0x80, v4, vm0, $0xb8;
	[tilespmem:$0x1C400] =	vst v63  }
0x115: {  	s16 =	simm.s32 $0x4C00;
	v3 =	vperm.xlane v3, v2  }
0x116: {  	[tilespmem:s16], [sflag:$0x2] =	stream.indirect_vreg.gather [hbm4b:s6+s4], $0x80, v4, vm0, $0xb8;
	[tilespmem:$0x1C400] =	vst v63  }
0x117: {  	s18 =	simm.s32 $0x5400;
	v3 =	vadd.s32 v1, v3  }
0x118: {  	[tilespmem:s18], [sflag:$0x2] =	stream.indirect_vreg.gather [hbm4b:s7+s4], $0x80, v4, vm0, $0xb8;
	[tilespmem:$0x1C400] =	vst v63  }
0x119: {  	s16 =	simm.s32 $0x5C00  }
0x11a: {  	[tilespmem:s16], [sflag:$0x2] =	stream.indirect_vreg.gather [hbm4b:s9+s4], $0x80, v4, vm0, $0xb8;
	[tilespmem:$0x1C400] =	vst v63  }
0x11b: {  	s18 =	simm.s32 $0x6400  }
0x11c: {  	[tilespmem:s18], [sflag:$0x2] =	stream.indirect_vreg.gather [hbm4b:s1+s4], $0x80, v3, vm0, $0xb8;
	[tilespmem:$0x1C400] =	vst v63  }
0x11d: {  	s16 =	simm.s32 $0x6C00  }
0x11e: {  	[tilespmem:s16], [sflag:$0x2] =	stream.indirect_vreg.gather [hbm4b:s6+s4], $0x80, v3, vm0, $0xb8;
	[tilespmem:$0x1C400] =	vst v63  }
0x11f: {  	s18 =	simm.s32 $0x7400  }
0x120: {  	[tilespmem:s18], [sflag:$0x2] =	stream.indirect_vreg.gather [hbm4b:s7+s4], $0x80, v3, vm0, $0xb8;
	[tilespmem:$0x1C400] =	vst v63  }
0x121: {  	s31 =	simm.s32 $0x3;
	s16 =	simm.s32 $0x7C00  }
0x122: {  	[tilespmem:s16], [sflag:$0x2] =	stream.indirect_vreg.gather [hbm4b:s9+s4], $0x80, v3, vm0, $0xb8;
	[tilespmem:$0x1C400] =	vst v63  }
0x123: {  	_ =	swait.ge [sflag:s31], $0x4000  }
0x124: {  	[sflag:s31] =	ssyncset.done $0x0  }
0x125: {  	s16 =	simm.s32 @!p0 $0xA;
	[sflag:s31] =	ssyncadd.s32 $0xFFFFC000  }
0x126: {  	_ =	swait.ge @!p0 [sflag:s16], $0x800  }
0x127: {  	[sflag:s16] =	ssyncset.done @!p0 $0x0  }
0x128: {  	s18 =	simm.s32 $0x8400;
	[sflag:s16] =	ssyncadd.s32 @!p0 $0xFFFFF800;
	s16 =	simm.s32 $0x7  }
0x129: {  	[spmem:s0] =	stream.linear.scatter [tilespmem:s18], [sflag:$0x7], $0x4000, $0x38;
	[tilespmem:$0x1C400] =	vst v63  }
0x12a: {  	_ =	swait.ge [sflag:s16], $0x4000  }
0x12b: {  	[sflag:s16] =	ssyncset.done $0x0;
	s12 =	rddreg [dreg:$0xc]  }
0x12c: {  	s31 =	sadd.s32 s5, s12;
	s12 =	smov.u32 s0;
	s0 =	sshrl.u32 s0, $0x3  }
0x12d: {  	[sflag:s16] =	ssyncadd.s32 $0xFFFFC000;
	s16 =	sor.u32 $0x1C0A, s8;
	[dreg:$0x14] =	wrdreg s0  }
0x12e: {  	[hbm:s31], [sflag:s16] =	dma.local [spmem:s0], $0x800  }
0x12f: {  	v3 =	vld [tilespmem:s24+$0x10];
	_ =	sdelay $0x4  }
0x130: {  	v62 =	vshll.u32 v3, $0x3  }
0x131: {  	v3 =	vand.u32 $0x7, v3;
	v4 =	vand.u32 $0xFFFFFFC0, v62  }
0x132: {  	v3 =	vor.u32 v3, v4  }
0x133: {  	v4 =	vperm.xlane v3, v0;
	_ =	sdelay $0x1  }
0x134: {  	v4 =	vadd.s32 v1, v4;
	_ =	sdelay $0x4  }
0x135: {  	[tilespmem:s18], [sflag:$0x3] =	stream.indirect_vreg.gather [hbm4b:s1+s4], $0x80, v4, vm0, $0xb8;
	[tilespmem:$0x1C400] =	vst v63  }
0x136: {  	v3 =	vperm.xlane v3, v2;
	s18 =	simm.s32 $0x8C00  }
0x137: {  	[tilespmem:s18], [sflag:$0x3] =	stream.indirect_vreg.gather [hbm4b:s6+s4], $0x80, v4, vm0, $0xb8;
	[tilespmem:$0x1C400] =	vst v63  }
0x138: {  	v3 =	vadd.s32 v1, v3;
	s18 =	simm.s32 $0x9400  }
0x139: {  	[tilespmem:s18], [sflag:$0x3] =	stream.indirect_vreg.gather [hbm4b:s7+s4], $0x80, v4, vm0, $0xb8;
	[tilespmem:$0x1C400] =	vst v63  }
0x13a: {  	s18 =	simm.s32 $0x9C00  }
0x13b: {  	[tilespmem:s18], [sflag:$0x3] =	stream.indirect_vreg.gather [hbm4b:s9+s4], $0x80, v4, vm0, $0xb8;
	[tilespmem:$0x1C400] =	vst v63  }
0x13c: {  	s18 =	simm.s32 $0xA400  }
0x13d: {  	[tilespmem:s18], [sflag:$0x3] =	stream.indirect_vreg.gather [hbm4b:s1+s4], $0x80, v3, vm0, $0xb8;
	[tilespmem:$0x1C400] =	vst v63  }
0x13e: {  	s18 =	simm.s32 $0xAC00  }
0x13f: {  	[tilespmem:s18], [sflag:$0x3] =	stream.indirect_vreg.gather [hbm4b:s6+s4], $0x80, v3, vm0, $0xb8;
	[tilespmem:$0x1C400] =	vst v63  }
0x140: {  	s18 =	simm.s32 $0xB400  }
0x141: {  	[tilespmem:s18], [sflag:$0x3] =	stream.indirect_vreg.gather [hbm4b:s7+s4], $0x80, v3, vm0, $0xb8;
	[tilespmem:$0x1C400] =	vst v63  }
0x142: {  	s15 =	simm.s32 $0x4;
	s18 =	simm.s32 $0xBC00  }
0x143: {  	[tilespmem:s18], [sflag:$0x3] =	stream.indirect_vreg.gather [hbm4b:s9+s4], $0x80, v3, vm0, $0xb8;
	[tilespmem:$0x1C400] =	vst v63  }
0x144: {  	_ =	swait.ge [sflag:s15], $0x4000  }
0x145: {  	p0 =	slt.u32 s25, $0x5;
	[sflag:s15] =	ssyncset.done $0x0  }
0x146: {  	s31 =	simm.s32 @!p0 $0xB;
	[sflag:s15] =	ssyncadd.s32 $0xFFFFC000  }
0x147: {  	_ =	swait.ge @!p0 [sflag:s31], $0x800  }
0x148: {  	[sflag:s31] =	ssyncset.done @!p0 $0x0  }
0x149: {  	s29 =	simm.s32 $0xC400;
	s18 =	simm.s32 $0x8;
	[sflag:s31] =	ssyncadd.s32 @!p0 $0xFFFFF800  }
0x14a: {  	[spmem:s22] =	stream.linear.scatter [tilespmem:s29], [sflag:$0x8], $0x4000, $0x38;
	[tilespmem:$0x1C400] =	vst v63  }
0x14b: {  	_ =	swait.ge [sflag:s18], $0x4000  }
0x14c: {  	s31 =	sor.u32 $0x1C0B, s8;
	[sflag:s18] =	ssyncset.done $0x0;
	s15 =	rddreg [dreg:$0x11]  }
0x14d: {  	s8 =	sshrl.u32 s22, $0x3;
	[sflag:s18] =	ssyncadd.s32 $0xFFFFC000;
	s18 =	sadd.s32 s5, s15  }
0x14e: {  	[hbm:s18], [sflag:s31] =	dma.local [spmem:s8], $0x800  }
0x14f: {  	v3 =	vld [tilespmem:s24+$0x20];
	_ =	sdelay $0x4  }
0x150: {  	v63 =	vshll.u32 v3, $0x3  }
0x151: {  	v3 =	vand.u32 $0x7, v3;
	v4 =	vand.u32 $0xFFFFFFC0, v63  }
0x152: {  	v3 =	vor.u32 v3, v4  }
0x153: {  	v4 =	vperm.xlane v3, v0;
	_ =	sdelay $0x1  }
0x154: {  	v4 =	vadd.s32 v1, v4;
	_ =	sdelay $0x4  }
0x155: {  	[tilespmem:s29], [sflag:$0x4] =	stream.indirect_vreg.gather [hbm4b:s1+s4], $0x80, v4, vm0, $0xb8;
	[tilespmem:$0x1C400] =	vst v63  }
0x156: {  	s0 =	smov.u32 s22;
	s22 =	simm.s32 $0xCC00;
	v3 =	vperm.xlane v3, v2  }
0x157: {  	[tilespmem:s22], [sflag:$0x4] =	stream.indirect_vreg.gather [hbm4b:s6+s4], $0x80, v4, vm0, $0xb8;
	[tilespmem:$0x1C400] =	vst v63  }
0x158: {  	v3 =	vadd.s32 v1, v3;
	s29 =	simm.s32 $0xD400  }
0x159: {  	[tilespmem:s29], [sflag:$0x4] =	stream.indirect_vreg.gather [hbm4b:s7+s4], $0x80, v4, vm0, $0xb8;
	[tilespmem:$0x1C400] =	vst v63  }
0x15a: {  	s18 =	simm.s32 $0xDC00  }
0x15b: {  	[tilespmem:s18], [sflag:$0x4] =	stream.indirect_vreg.gather [hbm4b:s9+s4], $0x80, v4, vm0, $0xb8;
	[tilespmem:$0x1C400] =	vst v63  }
0x15c: {  	s22 =	simm.s32 $0xE400  }
0x15d: {  	[tilespmem:s22], [sflag:$0x4] =	stream.indirect_vreg.gather [hbm4b:s1+s4], $0x80, v3, vm0, $0xb8;
	[tilespmem:$0x1C400] =	vst v63  }
0x15e: {  	_ = 	snop  }
0x15f: {  	[tilespmem:s20], [sflag:$0x4] =	stream.indirect_vreg.gather [hbm4b:s6+s4], $0x80, v3, vm0, $0xb8;
	[tilespmem:$0x1C400] =	vst v63  }
0x160: {  	_ = 	snop  }
0x161: {  	[tilespmem:s28], [sflag:$0x4] =	stream.indirect_vreg.gather [hbm4b:s7+s4], $0x80, v3, vm0, $0xb8;
	[tilespmem:$0x1C400] =	vst v63  }
0x162: {  	p0 =	seq.s32 s5, $0x1C000  }
0x163: {  	[tilespmem:s26], [sflag:$0x4] =	stream.indirect_vreg.gather [hbm4b:s9+s4], $0x80, v3, vm0, $0xb8;
	[tilespmem:$0x1C400] =	vst v63  }
.Ltmp5:
0x164: {  	_ = 	snop;
	(pc) =	sbr.rel @p0 .LBB2_6-.Ltmp5, $4  }
0x165: {  	_ =	swait.ge [sflag:s30], $0x4000  }
0x166: {  	[sflag:s30] =	ssyncset.done $0x0;
	s29 =	rddreg [dreg:$0x10]  }
0x167: {  	s2 =	simm.s32 $0x2;
	[sflag:s30] =	ssyncadd.s32 $0xFFFFC000;
	s18 =	sadd.s32 s5, s29  }
0x168: {  	[hbm4b:s18+s4] =	stream.linear.scatter [tilespmem:s13], [sflag:$0x5], $0x4000, $0x38;
	[tilespmem:$0x1C400] =	vst v63  }
0x169: {  	_ =	swait.ge [sflag:s3], $0x4000  }
0x16a: {  	[sflag:s3] =	ssyncset.done $0x0  }
0x16b: {  	[sflag:s3] =	ssyncadd.s32 $0xFFFFC000  }
0x16c: {  	v3 =	vld [tilespmem:s24+$0x30];
	_ =	sdelay $0x4  }
0x16d: {  	v4 =	vshll.u32 v3, $0x3  }
0x16e: {  	v3 =	vand.u32 $0x7, v3;
	v4 =	vand.u32 $0xFFFFFFC0, v4  }
0x16f: {  	v3 =	vor.u32 v3, v4  }
0x170: {  	v4 =	vperm.xlane v3, v0;
	_ =	sdelay $0x1  }
0x171: {  	v4 =	vadd.s32 v1, v4;
	_ =	sdelay $0x4  }
0x172: {  	[tilespmem:s13], [sflag:$0x1] =	stream.indirect_vreg.gather [hbm4b:s1+s4], $0x80, v4, vm0, $0xb8;
	[tilespmem:$0x1C400] =	vst v63  }
0x173: {  	v3 =	vperm.xlane v3, v2  }
0x174: {  	[tilespmem:s19], [sflag:$0x1] =	stream.indirect_vreg.gather [hbm4b:s6+s4], $0x80, v4, vm0, $0xb8;
	[tilespmem:$0x1C400] =	vst v63  }
0x175: {  	s22 =	simm.s32 $0x1400;
	v3 =	vadd.s32 v1, v3  }
0x176: {  	[tilespmem:s22], [sflag:$0x1] =	stream.indirect_vreg.gather [hbm4b:s7+s4], $0x80, v4, vm0, $0xb8;
	[tilespmem:$0x1C400] =	vst v63  }
0x177: {  	s26 =	simm.s32 $0x1C00  }
0x178: {  	[tilespmem:s26], [sflag:$0x1] =	stream.indirect_vreg.gather [hbm4b:s9+s4], $0x80, v4, vm0, $0xb8;
	[tilespmem:$0x1C400] =	vst v63  }
0x179: {  	s28 =	simm.s32 $0x2400  }
0x17a: {  	[tilespmem:s28], [sflag:$0x1] =	stream.indirect_vreg.gather [hbm4b:s1+s4], $0x80, v3, vm0, $0xb8;
	[tilespmem:$0x1C400] =	vst v63  }
0x17b: {  	s29 =	simm.s32 $0x2C00  }
0x17c: {  	[tilespmem:s29], [sflag:$0x1] =	stream.indirect_vreg.gather [hbm4b:s6+s4], $0x80, v3, vm0, $0xb8;
	[tilespmem:$0x1C400] =	vst v63  }
0x17d: {  	s13 =	simm.s32 $0x3400  }
0x17e: {  	[tilespmem:s13], [sflag:$0x1] =	stream.indirect_vreg.gather [hbm4b:s7+s4], $0x80, v3, vm0, $0xb8;
	[tilespmem:$0x1C400] =	vst v63  }
0x17f: {  	s15 =	simm.s32 $0x3C00  }
0x180: {  	[tilespmem:s15], [sflag:$0x1] =	stream.indirect_vreg.gather [hbm4b:s9+s4], $0x80, v3, vm0, $0xb8;
	[tilespmem:$0x1C400] =	vst v63  }
0x181: {  	_ =	swait.ge [sflag:s2], $0x4000  }
0x182: {  	[sflag:s2] =	ssyncset.done $0x0  }
0x183: {  	s18 =	simm.s32 $0x9;
	[sflag:s2] =	ssyncadd.s32 $0xFFFFC000  }
0x184: {  	_ =	swait.ge [sflag:s18], $0x800  }
0x185: {  	[sflag:s18] =	ssyncset.done $0x0  }
0x186: {  	[sflag:s18] =	ssyncadd.s32 $0xFFFFF800  }
0x187: {  	[spmem:s21] =	stream.linear.scatter [tilespmem:s10], [sflag:$0x6], $0x4000, $0x38;
	[tilespmem:$0x1C400] =	vst v63  }
0x188: {  	_ =	swait.ge [sflag:s11], $0x4000  }
0x189: {  	[sflag:s11] =	ssyncset.done $0x0;
	s18 =	rddreg [dreg:$0xf]  }
0x18a: {  	[sflag:s11] =	ssyncadd.s32 $0xFFFFC000;
	s18 =	sadd.s32 s5, s18  }
0x18b: {  	[hbm:s18], [sflag:s14] =	dma.local [spmem:s17], $0x800  }
0x18c: {  	v3 =	vld [tilespmem:s24+$0x40];
	_ =	sdelay $0x4  }
0x18d: {  	v63 =	vshll.u32 v3, $0x3  }
0x18e: {  	v3 =	vand.u32 $0x7, v3;
	v4 =	vand.u32 $0xFFFFFFC0, v63  }
0x18f: {  	v3 =	vor.u32 v3, v4  }
0x190: {  	v4 =	vperm.xlane v3, v0;
	_ =	sdelay $0x1  }
0x191: {  	v4 =	vadd.s32 v1, v4;
	_ =	sdelay $0x4  }
0x192: {  	[tilespmem:s10], [sflag:$0x2] =	stream.indirect_vreg.gather [hbm4b:s1+s4], $0x80, v4, vm0, $0xb8;
	[tilespmem:$0x1C400] =	vst v63  }
0x193: {  	s19 =	simm.s32 $0x4C00;
	v3 =	vperm.xlane v3, v2  }
0x194: {  	[tilespmem:s19], [sflag:$0x2] =	stream.indirect_vreg.gather [hbm4b:s6+s4], $0x80, v4, vm0, $0xb8;
	[tilespmem:$0x1C400] =	vst v63  }
0x195: {  	s20 =	simm.s32 $0x5400;
	v3 =	vadd.s32 v1, v3  }
0x196: {  	[tilespmem:s20], [sflag:$0x2] =	stream.indirect_vreg.gather [hbm4b:s7+s4], $0x80, v4, vm0, $0xb8;
	[tilespmem:$0x1C400] =	vst v63  }
0x197: {  	s21 =	simm.s32 $0x5C00  }
0x198: {  	[tilespmem:s21], [sflag:$0x2] =	stream.indirect_vreg.gather [hbm4b:s9+s4], $0x80, v4, vm0, $0xb8;
	[tilespmem:$0x1C400] =	vst v63  }
0x199: {  	s22 =	simm.s32 $0x6400  }
0x19a: {  	[tilespmem:s22], [sflag:$0x2] =	stream.indirect_vreg.gather [hbm4b:s1+s4], $0x80, v3, vm0, $0xb8;
	[tilespmem:$0x1C400] =	vst v63  }
0x19b: {  	s26 =	simm.s32 $0x6C00  }
0x19c: {  	[tilespmem:s26], [sflag:$0x2] =	stream.indirect_vreg.gather [hbm4b:s6+s4], $0x80, v3, vm0, $0xb8;
	[tilespmem:$0x1C400] =	vst v63  }
.Ltmp6:
0x19d: {  	_ = 	snop;
	(pc) =	sbr.rel .LBB2_7-.Ltmp6, $4  }
0x19e: {  	s28 =	simm.s32 $0x7400  }
0x19f: {  	[tilespmem:s28], [sflag:$0x2] =	stream.indirect_vreg.gather [hbm4b:s7+s4], $0x80, v3, vm0, $0xb8;
	[tilespmem:$0x1C400] =	vst v63  }
0x1a0: {  	s29 =	simm.s32 $0x7C00  }
0x1a1: {  	[tilespmem:s29], [sflag:$0x2] =	stream.indirect_vreg.gather [hbm4b:s9+s4], $0x80, v3, vm0, $0xb8;
	[tilespmem:$0x1C400] =	vst v63  }
.LBB2_9:
0x1a2: {  	_ =	sfence.sel $0x180000  }
0x1a3: {  	[bflag:$0x0] =	sbarrier.arrive $0xFFFF  }
0x1a4: {  	_ =	strace $0x90000047  }
0x1a5: {  	s0 =	stileid.u32;
	[bflag:$0x2] =	sbarrier.arrive $0xFFFF  }
0x1a6: {  	p0 =	sne.s32 s0, $0x0;
	s0 =	rddreg [dreg:$0x4]  }
0x1a7: {  	s0 =	sadd.s32 @!p0 $0x100000, s0  }
0x1a8: {  	[sflag:s0] =	ssyncadd.tile.s32 @!p0 $0x1;
	_ =	shalt  }
.Lfunc_end2:
_tile_overlayer_lowered:
.L_overlay_start_2:
0x1a9: {  	(tag) =	ssettag $0x2  }
0x1aa: {  	s0 =	rddreg [dreg:$0x0];
	s2 =	stileid.u32  }
0x1ab: {  	s1 =	rddreg [dreg:$0x1];
	p0 =	sne.s32 s2, $0x0  }
0x1ac: {  	s3 =	rddreg [dreg:$0x2];
	[bflag:$0x3] =	sbarrier.arrive $0xFFFF;
	s2 =	simm.s32 @!p0 $0x1C0C  }
0x1ad: {  	[timem:s3], [sflag:s2] =	dma.local @!p0 [hbm:s0], s1  }
0x1ae: {  	s0 =	simm.s32 @!p0 $0xC  }
0x1af: {  	_ =	swait.ge @!p0 [sflag:s0], s1  }
0x1b0: {  	s1 =	ssub.s32 @!p0 $0x0, s1;
	[sflag:s0] =	ssyncset.done @!p0 $0x0  }
0x1b1: {  	[sflag:s0] =	ssyncadd.s32 @!p0 s1  }
0x1b2: {  	[bflag:$0x3] =	sbarrier.arrive $0xFFFF  }
0x1b3: {  	_ =	shalt  }

</sc_bundles>
